<compile_context>
chip_gen: v7x
topology: tpu7x:2x2x1
jax: 0.10.2.dev20260603
libtpu: 0.0.44.dev20260713+nightly
codegen_flags: <defaults>
</compile_context>

<pallas_src>
import functools

import jax
import jax.numpy as jnp
from jax import lax
from jax.experimental import pallas as pl
from jax.experimental.pallas import tpu as pltpu
from jax.experimental.pallas import tpu_sc as plsc

NC, NS, L = 2, 16, 16
NW = NC * NS


def kernel(x, Imagetype, neighbor_list, n):
    B, N, M, K = x.shape
    NT, D = n.shape
    DD = D * D
    TC = N // 128
    JW = M // 4
    PQA = 13
    PQB = DD - PQA
    LANE = K * 128
    ROWJ = DD * TC * LANE

    xt = x.reshape(B, TC, 128, M, K).transpose(0, 3, 1, 4, 2).reshape(-1)
    nlt = neighbor_list.reshape(B, TC, 128, M // 8, 8).transpose(0, 3, 1, 4, 2).reshape(-1)
    it_flat = Imagetype.reshape(B * N)
    n_pad = jnp.pad(n.reshape(NT * D), (0, 256 - NT * D))

    mesh = plsc.VectorSubcoreMesh(core_axis_name="c", subcore_axis_name="s")

    @functools.partial(
        pl.kernel,
        out_type=jax.ShapeDtypeStruct((B * M * DD * TC * K * 128,), jnp.float32),
        mesh=mesh,
        compiler_params=pltpu.CompilerParams(needs_layout_passes=False),
        scratch_types=[
            pltpu.VMEM((JW * TC * K * 128,), jnp.float32),
            pltpu.VMEM((2 * TC * 8 * 128,), jnp.int32),
            pltpu.VMEM((N,), jnp.int32),
            pltpu.VMEM((256,), jnp.float32),
            pltpu.VMEM((JW * TC * 128,), jnp.int32),
            pltpu.VMEM((D * TC * 128,), jnp.float32),
            pltpu.VMEM((PQA * TC * K * 128,), jnp.float32),
            pltpu.VMEM((PQB * TC * K * 128,), jnp.float32),
            pltpu.SemaphoreType.DMA,
            pltpu.SemaphoreType.DMA,
        ],
    )
    def sc_kernel(xt_hbm, nlt_hbm, it_hbm, n_hbm, out_hbm,
                  xst, nlst, itv, nv, tjb, iitab, bufa, bufb, sema, semb):
        wid = lax.axis_index("s") * NC + lax.axis_index("c")
        b = lax.shift_right_logical(wid, 2)
        jq = wid & 3
        j0 = jq * JW

        xcp = pltpu.async_copy(
            xt_hbm.at[pl.ds((b * M + j0) * TC * K * 128, JW * TC * K * 128)],
            xst, sema)
        pltpu.sync_copy(nlt_hbm.at[pl.ds((b * (M // 8) + jq * 2) * TC * 8 * 128,
                                         2 * TC * 8 * 128)], nlst)
        pltpu.sync_copy(it_hbm.at[pl.ds(b * N, N)], itv)
        pltpu.sync_copy(n_hbm, nv)

        def tj_body(t, _):
            jr = lax.shift_right_logical(t, 5)
            hi = lax.shift_right_logical(t, 3) & 3
            g = t & 7
            jgr = lax.shift_right_logical(jr, 3)
            js = jr & 7
            nlc = nlst[pl.ds(((jgr * TC + hi) * 8 + js) * 128 + g * L, L)]
            tv = plsc.load_gather(itv, [jnp.maximum(nlc - 1, 0)])
            tv = jnp.where(nlc == 0, 0, tv)
            tjb[pl.ds((jr * TC + hi) * 128 + g * L, L)] = tv * D
            return 0

        lax.fori_loop(0, JW * TC * 8, tj_body, 0, unroll=False)

        def ii_body(t, _):
            hi = lax.shift_right_logical(t, 3)
            g = t & 7
            til = itv[pl.ds(hi * 128 + g * L, L)]
            ibase = til * D
            for p in range(D):
                iitab[pl.ds((p * TC + hi) * 128 + g * L, L)] = (
                    plsc.load_gather(nv, [ibase + p]))
            return 0

        lax.fori_loop(0, TC * 8, ii_body, 0, unroll=False)
        xcp.wait()

        def fill(buf, jr, pq0, npq):
            def f_body(t, _):
                hi = lax.shift_right_logical(t, 3)
                g = t & 7
                dyn = hi * 128 + g * L
                tjv = tjb[pl.ds(jr * TC * 128 + dyn, L)]
                jj = [plsc.load_gather(nv, [tjv + q]) for q in range(D)]
                xk = [xst[pl.ds((jr * TC + hi) * LANE + k * 128 + g * L, L)]
                      for k in range(K)]
                need_p = sorted({(pq0 + r) // D for r in range(npq)})
                ii = {p: iitab[pl.ds(p * TC * 128 + dyn, L)] for p in need_p}
                kdyn = hi * LANE + g * L
                for r in range(npq):
                    pq = pq0 + r
                    tpq = ii[pq // D] * jj[pq % D]
                    for k in range(K):
                        buf[pl.ds(r * TC * LANE + k * 128 + kdyn, L)] = tpq * xk[k]
                return 0

            lax.fori_loop(0, TC * 8, f_body, 0, unroll=False)

        def j_body(jr, _):
            obase = ((b * M + j0 + jr) * DD) * TC * K * 128

            @pl.when(jr > 0)
            def _():
                pltpu.make_async_copy(
                    bufa, out_hbm.at[pl.ds(0, PQA * TC * K * 128)], sema).wait()

            fill(bufa, jr, 0, PQA)
            pltpu.async_copy(
                bufa, out_hbm.at[pl.ds(obase, PQA * TC * K * 128)], sema)

            @pl.when(jr > 0)
            def _():
                pltpu.make_async_copy(
                    bufb, out_hbm.at[pl.ds(0, PQB * TC * K * 128)], semb).wait()

            fill(bufb, jr, PQA, PQB)
            pltpu.async_copy(
                bufb, out_hbm.at[pl.ds(obase + PQA * TC * K * 128,
                                       PQB * TC * K * 128)], semb)
            return 0

        lax.fori_loop(0, JW, j_body, 0, unroll=False)

        pltpu.make_async_copy(
            bufa, out_hbm.at[pl.ds(0, PQA * TC * K * 128)], sema).wait()
        pltpu.make_async_copy(
            bufb, out_hbm.at[pl.ds(0, PQB * TC * K * 128)], semb).wait()

    out_flat = sc_kernel(xt, nlt, it_flat, n_pad)
    out6 = out_flat.reshape(B, M, DD, TC, K, 128)
    return out6.transpose(0, 3, 5, 1, 4, 2).reshape(B, N, M, K, DD)

# --- scband reference (transcript-rebuilt; emitter-appended) ---
"""Pipeline reference for scband-embedding-net-9380208575078 (READ-ONLY COPY).

The authoritative reference and input builder live on the scoring server;
editing this copy changes nothing except your own understanding.
"""

import jax, jax.numpy as jnp
import numpy as np

B, NATOM, MAXN, K = 8, 512, 64, 4
NTYPES, D = 40, 5

def setup_inputs(seed: int = 0) -> dict:
    key = jax.random.key(seed)
    k1, k2, k3, k4 = jax.random.split(key, 4)
    x = jax.random.normal(k1, (B, NATOM, MAXN, K), dtype=jnp.float32)
    Imagetype = jax.random.randint(k2, (B, NATOM), 0, NTYPES, dtype=jnp.int32)
    neighbor_list = jax.random.randint(k3, (B, NATOM, MAXN), 0, NATOM + 1, dtype=jnp.int32)
    n = 0.1 + 0.2 * jax.random.normal(k4, (NTYPES, D), dtype=jnp.float32)
    return {"x": x, "Imagetype": Imagetype, "neighbor_list": neighbor_list, "n": n}

def reference(x, Imagetype, neighbor_list, n):
    Bb, Nn, Mm = neighbor_list.shape
    # neighbor_type[b,i,j] = 0 if neighbor_list==0 else Imagetype[b, neighbor_list-1]
    pad = jnp.concatenate([jnp.zeros((Bb, 1), dtype=Imagetype.dtype), Imagetype], axis=1)  # [B, N+1]
    flat = neighbor_list.reshape(Bb, Nn * Mm)
    neighbor_type = jnp.take_along_axis(pad, flat, axis=1).reshape(Bb, Nn, Mm)
    # type-embedding lookups (gathers into self.n)
    iitype = jnp.take(n, Imagetype, axis=0)        # [B, N, 5]
    jjtype = jnp.take(n, neighbor_type, axis=0)    # [B, N, M, 5]
    # outer product of center-atom and neighbor-atom type embeddings
    embed = jnp.matmul(iitype.reshape(Bb, Nn, 1, D, 1), jjtype[..., None, :])  # [B, N, M, 5, 5]
    embed = embed.reshape(Bb, Nn, Mm, 1, D * D)    # [B, N, M, 1, 25]
    out = jnp.matmul(x[..., None], embed)          # [B, N, M, K, 25]
    return out

if __name__ == "__main__":
    import jax
    _d = setup_inputs()
    print(jax.jit(kernel)(*tuple(_d.values())))

</pallas_src>

<mosaic_0001>
#map = affine_map<(d0, d1) -> (0)>
module attributes {stable_mosaic.version = 14 : i64} {
  func.func @sc_kernel(%arg0: i32, %arg1: i32, %arg2: memref<1048576xf32, #tpu.memory_space<hbm>>, %arg3: memref<262144xi32, #tpu.memory_space<hbm>>, %arg4: memref<4096xi32, #tpu.memory_space<hbm>>, %arg5: memref<256xf32, #tpu.memory_space<hbm>>, %arg6: memref<26214400xf32, #tpu.memory_space<hbm>>, %arg7: memref<32768xf32, #tpu.memory_space<vmem>>, %arg8: memref<8192xi32, #tpu.memory_space<vmem>>, %arg9: memref<512xi32, #tpu.memory_space<vmem>>, %arg10: memref<256xf32, #tpu.memory_space<vmem>>, %arg11: memref<8192xi32, #tpu.memory_space<vmem>>, %arg12: memref<2560xf32, #tpu.memory_space<vmem>>, %arg13: memref<26624xf32, #tpu.memory_space<vmem>>, %arg14: memref<24576xf32, #tpu.memory_space<vmem>>, %arg15: memref<!tpu.dma_semaphore, #tpu.memory_space<semaphore_mem>>, %arg16: memref<!tpu.dma_semaphore, #tpu.memory_space<semaphore_mem>>) attributes {dimension_semantics = [#tpu.dimension_semantics<core_parallel>, #tpu.dimension_semantics<subcore_parallel>], iteration_bounds = array<i64: 2, 16>, scalar_prefetch = 0 : i64, scratch_operands = 10 : i64, tpu.core_type = #tpu.core_type<sc_vector_subcore>, window_params = [{transform_indices = #map}, {transform_indices = #map}, {transform_indices = #map}, {transform_indices = #map}, {transform_indices = #map}]} {
    %mul3A = arith.constant 2 : i32
    %mul3A_0 = arith.muli %arg1, %mul3A : i32
    %add3A = arith.addi %mul3A_0, %arg0 : i32
    %shift_right_logical3A = arith.constant 2 : i32
    %shift_right_logical3A_1 = arith.shrui %add3A, %shift_right_logical3A : i32
    %and3A = arith.constant 3 : i32
    %and3A_2 = arith.andi %add3A, %and3A : i32
    %mul3A_3 = arith.constant 16 : i32
    %mul3A_4 = arith.muli %and3A_2, %mul3A_3 : i32
    %mul3A_5 = arith.constant 64 : i32
    %mul3A_6 = arith.muli %shift_right_logical3A_1, %mul3A_5 : i32
    %add3A_7 = arith.addi %mul3A_6, %mul3A_4 : i32
    %mul3A_8 = arith.constant 4 : i32
    %mul3A_9 = arith.muli %add3A_7, %mul3A_8 : i32
    %mul3A_10 = arith.constant 4 : i32
    %mul3A_11 = arith.muli %mul3A_9, %mul3A_10 : i32
    %mul3A_12 = arith.constant 128 : i32
    %mul3A_13 = arith.muli %mul3A_11, %mul3A_12 : i32
    %dma_start3A = tpu.memref_slice %arg2[%mul3A_13] : memref<1048576xf32, #tpu.memory_space<hbm>> -> memref<32768xf32, #tpu.memory_space<hbm>>
    %dma_start3A_14 = tpu.memref_slice %arg2[%mul3A_13] : memref<1048576xf32, #tpu.memory_space<hbm>> -> memref<32768xf32, #tpu.memory_space<hbm>>
    tpu.enqueue_dma source(%dma_start3A_14 : memref<32768xf32, #tpu.memory_space<hbm>>) target(%arg7 : memref<32768xf32, #tpu.memory_space<vmem>>) target_semaphore(%arg15 : memref<!tpu.dma_semaphore, #tpu.memory_space<semaphore_mem>>)
    %mul3A_15 = arith.constant 8 : i32
    %mul3A_16 = arith.muli %shift_right_logical3A_1, %mul3A_15 : i32
    %mul3A_17 = arith.constant 2 : i32
    %mul3A_18 = arith.muli %and3A_2, %mul3A_17 : i32
    %add3A_19 = arith.addi %mul3A_16, %mul3A_18 : i32
    %mul3A_20 = arith.constant 4 : i32
    %mul3A_21 = arith.muli %add3A_19, %mul3A_20 : i32
    %mul3A_22 = arith.constant 8 : i32
    %mul3A_23 = arith.muli %mul3A_21, %mul3A_22 : i32
    %mul3A_24 = arith.constant 128 : i32
    %mul3A_25 = arith.muli %mul3A_23, %mul3A_24 : i32
    "tpu.region"() ({
      %run_scoped3A = tpu.sem_alloc : memref<!tpu.dma_semaphore, #tpu.memory_space<semaphore_mem>>
      %dma_start3A_57 = tpu.memref_slice %arg3[%mul3A_25] : memref<262144xi32, #tpu.memory_space<hbm>> -> memref<8192xi32, #tpu.memory_space<hbm>>
      %dma_start3A_58 = tpu.memref_slice %arg3[%mul3A_25] : memref<262144xi32, #tpu.memory_space<hbm>> -> memref<8192xi32, #tpu.memory_space<hbm>>
      tpu.enqueue_dma source(%dma_start3A_58 : memref<8192xi32, #tpu.memory_space<hbm>>) target(%arg8 : memref<8192xi32, #tpu.memory_space<vmem>>) target_semaphore(%run_scoped3A : memref<!tpu.dma_semaphore, #tpu.memory_space<semaphore_mem>>)
      %dma_wait3A_59 = tpu.memref_slice %arg3[%mul3A_25] : memref<262144xi32, #tpu.memory_space<hbm>> -> memref<8192xi32, #tpu.memory_space<hbm>>
      %dma_wait3A_60 = tpu.memref_slice %arg3[%mul3A_25] : memref<262144xi32, #tpu.memory_space<hbm>> -> memref<8192xi32, #tpu.memory_space<hbm>>
      tpu.wait_dma2 semaphore(%run_scoped3A : memref<!tpu.dma_semaphore, #tpu.memory_space<semaphore_mem>>) src(%dma_wait3A_60 : memref<8192xi32, #tpu.memory_space<hbm>>) dst(%arg8 : memref<8192xi32, #tpu.memory_space<vmem>>)
      tpu.yield
    }) : () -> ()
    %mul3A_26 = arith.constant 512 : i32
    %mul3A_27 = arith.muli %shift_right_logical3A_1, %mul3A_26 : i32
    "tpu.region"() ({
      %run_scoped3A = tpu.sem_alloc : memref<!tpu.dma_semaphore, #tpu.memory_space<semaphore_mem>>
      %dma_start3A_57 = tpu.memref_slice %arg4[%mul3A_27] : memref<4096xi32, #tpu.memory_space<hbm>> -> memref<512xi32, #tpu.memory_space<hbm>>
      %dma_start3A_58 = tpu.memref_slice %arg4[%mul3A_27] : memref<4096xi32, #tpu.memory_space<hbm>> -> memref<512xi32, #tpu.memory_space<hbm>>
      tpu.enqueue_dma source(%dma_start3A_58 : memref<512xi32, #tpu.memory_space<hbm>>) target(%arg9 : memref<512xi32, #tpu.memory_space<vmem>>) target_semaphore(%run_scoped3A : memref<!tpu.dma_semaphore, #tpu.memory_space<semaphore_mem>>)
      %dma_wait3A_59 = tpu.memref_slice %arg4[%mul3A_27] : memref<4096xi32, #tpu.memory_space<hbm>> -> memref<512xi32, #tpu.memory_space<hbm>>
      %dma_wait3A_60 = tpu.memref_slice %arg4[%mul3A_27] : memref<4096xi32, #tpu.memory_space<hbm>> -> memref<512xi32, #tpu.memory_space<hbm>>
      tpu.wait_dma2 semaphore(%run_scoped3A : memref<!tpu.dma_semaphore, #tpu.memory_space<semaphore_mem>>) src(%dma_wait3A_60 : memref<512xi32, #tpu.memory_space<hbm>>) dst(%arg9 : memref<512xi32, #tpu.memory_space<vmem>>)
      tpu.yield
    }) : () -> ()
    "tpu.region"() ({
      %run_scoped3A = tpu.sem_alloc : memref<!tpu.dma_semaphore, #tpu.memory_space<semaphore_mem>>
      tpu.enqueue_dma source(%arg5 : memref<256xf32, #tpu.memory_space<hbm>>) target(%arg10 : memref<256xf32, #tpu.memory_space<vmem>>) target_semaphore(%run_scoped3A : memref<!tpu.dma_semaphore, #tpu.memory_space<semaphore_mem>>)
      tpu.wait_dma2 semaphore(%run_scoped3A : memref<!tpu.dma_semaphore, #tpu.memory_space<semaphore_mem>>) src(%arg5 : memref<256xf32, #tpu.memory_space<hbm>>) dst(%arg10 : memref<256xf32, #tpu.memory_space<vmem>>)
      tpu.yield
    }) : () -> ()
    %scan3A = arith.constant 0 : i32
    %scan3A_28 = arith.constant 0 : i32
    %scan3A_29 = arith.constant 512 : i32
    %scan3A_30 = arith.addi %scan3A_28, %scan3A_29 : i32
    %scan3A_31 = arith.constant 1 : i32
    %scan3A_32 = scf.for %scan3A_57 = %scan3A_28 to %scan3A_30 step %scan3A_31 iter_args(%scan3A_58 = %scan3A) -> (i32)  : i32 {
      %shift_right_logical3A_59 = arith.constant 5 : i32
      %shift_right_logical3A_60 = arith.shrui %scan3A_57, %shift_right_logical3A_59 : i32
      %shift_right_logical3A_61 = arith.constant 3 : i32
      %shift_right_logical3A_62 = arith.shrui %scan3A_57, %shift_right_logical3A_61 : i32
      %and3A_63 = arith.constant 3 : i32
      %and3A_64 = arith.andi %shift_right_logical3A_62, %and3A_63 : i32
      %and3A_65 = arith.constant 7 : i32
      %and3A_66 = arith.andi %scan3A_57, %and3A_65 : i32
      %shift_right_logical3A_67 = arith.constant 3 : i32
      %shift_right_logical3A_68 = arith.shrui %shift_right_logical3A_60, %shift_right_logical3A_67 : i32
      %and3A_69 = arith.constant 7 : i32
      %and3A_70 = arith.andi %shift_right_logical3A_60, %and3A_69 : i32
      %mul3A_71 = arith.constant 4 : i32
      %mul3A_72 = arith.muli %shift_right_logical3A_68, %mul3A_71 : i32
      %add3A_73 = arith.addi %mul3A_72, %and3A_64 : i32
      %mul3A_74 = arith.constant 8 : i32
      %mul3A_75 = arith.muli %add3A_73, %mul3A_74 : i32
      %add3A_76 = arith.addi %mul3A_75, %and3A_70 : i32
      %mul3A_77 = arith.constant 128 : i32
      %mul3A_78 = arith.muli %add3A_76, %mul3A_77 : i32
      %mul3A_79 = arith.constant 16 : i32
      %mul3A_80 = arith.muli %and3A_66, %mul3A_79 : i32
      %add3A_81 = arith.addi %mul3A_78, %mul3A_80 : i32
      %get3A = arith.index_cast %add3A_81 : i32 to index
      %get3A_82 = tpu.vector_load %arg8[%get3A] {strides = array<i32>} : memref<8192xi32, #tpu.memory_space<vmem>>, vector<16xi32>,
      %sub3A = arith.constant 1 : i32
      %sub3A_83 = vector.broadcast %sub3A : i32 to vector<16xi32>
      %sub3A_84 = arith.subi %get3A_82, %sub3A_83 : vector<16xi32>
      %max3A = arith.constant 0 : i32
      %max3A_85 = vector.broadcast %max3A : i32 to vector<16xi32>
      %max3A_86 = arith.maxsi %sub3A_84, %max3A_85 : vector<16xi32>
      %gather3A = tpu.vector_load_idx %arg9[%max3A_86] : memref<512xi32, #tpu.memory_space<vmem>>[vector<16xi32>], vector<16xi32>,
      %eq3A = arith.constant 0 : i32
      %eq3A_87 = vector.broadcast %eq3A : i32 to vector<16xi32>
      %eq3A_88 = arith.cmpi eq, %get3A_82, %eq3A_87 : vector<16xi32>
      %jit3A = arith.constant 0 : i32
      %broadcast_in_dim3A = vector.broadcast %jit3A : i32 to vector<16xi32>
      %select_n3A = arith.select %eq3A_88, %broadcast_in_dim3A, %gather3A : vector<16xi1>, vector<16xi32>
      %mul3A_89 = arith.constant 5 : i32
      %mul3A_90 = vector.broadcast %mul3A_89 : i32 to vector<16xi32>
      %mul3A_91 = arith.muli %select_n3A, %mul3A_90 : vector<16xi32>
      %mul3A_92 = arith.constant 4 : i32
      %mul3A_93 = arith.muli %shift_right_logical3A_60, %mul3A_92 : i32
      %add3A_94 = arith.addi %mul3A_93, %and3A_64 : i32
      %mul3A_95 = arith.constant 128 : i32
      %mul3A_96 = arith.muli %add3A_94, %mul3A_95 : i32
      %mul3A_97 = arith.constant 16 : i32
      %mul3A_98 = arith.muli %and3A_66, %mul3A_97 : i32
      %add3A_99 = arith.addi %mul3A_96, %mul3A_98 : i32
      %swap3A = arith.index_cast %add3A_99 : i32 to index
      %swap3A_100 = tpu.vector_load %arg11[%swap3A] {strides = array<i32>} : memref<8192xi32, #tpu.memory_space<vmem>>, vector<16xi32>,
      tpu.vector_store %arg11[%swap3A], %mul3A_91 {strides = array<i32>} : memref<8192xi32, #tpu.memory_space<vmem>>, vector<16xi32>,
      %scan3A_101 = arith.constant 0 : i32
      scf.yield %scan3A_101 : i32
    }
    %scan3A_33 = arith.constant 512 : i32
    %scan3A_34 = arith.constant 0 : i32
    %scan3A_35 = arith.constant 0 : i32
    %scan3A_36 = arith.constant 32 : i32
    %scan3A_37 = arith.addi %scan3A_35, %scan3A_36 : i32
    %scan3A_38 = arith.constant 1 : i32
    %scan3A_39 = scf.for %scan3A_57 = %scan3A_35 to %scan3A_37 step %scan3A_38 iter_args(%scan3A_58 = %scan3A_34) -> (i32)  : i32 {
      %shift_right_logical3A_59 = arith.constant 3 : i32
      %shift_right_logical3A_60 = arith.shrui %scan3A_57, %shift_right_logical3A_59 : i32
      %and3A_61 = arith.constant 7 : i32
      %and3A_62 = arith.andi %scan3A_57, %and3A_61 : i32
      %mul3A_63 = arith.constant 128 : i32
      %mul3A_64 = arith.muli %shift_right_logical3A_60, %mul3A_63 : i32
      %mul3A_65 = arith.constant 16 : i32
      %mul3A_66 = arith.muli %and3A_62, %mul3A_65 : i32
      %add3A_67 = arith.addi %mul3A_64, %mul3A_66 : i32
      %get3A = arith.index_cast %add3A_67 : i32 to index
      %get3A_68 = tpu.vector_load %arg9[%get3A] {strides = array<i32>} : memref<512xi32, #tpu.memory_space<vmem>>, vector<16xi32>,
      %mul3A_69 = arith.constant 5 : i32
      %mul3A_70 = vector.broadcast %mul3A_69 : i32 to vector<16xi32>
      %mul3A_71 = arith.muli %get3A_68, %mul3A_70 : vector<16xi32>
      %add3A_72 = arith.constant 0 : i32
      %add3A_73 = vector.broadcast %add3A_72 : i32 to vector<16xi32>
      %add3A_74 = arith.addi %mul3A_71, %add3A_73 : vector<16xi32>
      %gather3A = tpu.vector_load_idx %arg10[%add3A_74] : memref<256xf32, #tpu.memory_space<vmem>>[vector<16xi32>], vector<16xf32>,
      %add3A_75 = arith.constant 0 : i32
      %add3A_76 = arith.addi %add3A_75, %shift_right_logical3A_60 : i32
      %mul3A_77 = arith.constant 128 : i32
      %mul3A_78 = arith.muli %add3A_76, %mul3A_77 : i32
      %mul3A_79 = arith.constant 16 : i32
      %mul3A_80 = arith.muli %and3A_62, %mul3A_79 : i32
      %add3A_81 = arith.addi %mul3A_78, %mul3A_80 : i32
      %swap3A = arith.index_cast %add3A_81 : i32 to index
      %swap3A_82 = tpu.vector_load %arg12[%swap3A] {strides = array<i32>} : memref<2560xf32, #tpu.memory_space<vmem>>, vector<16xf32>,
      tpu.vector_store %arg12[%swap3A], %gather3A {strides = array<i32>} : memref<2560xf32, #tpu.memory_space<vmem>>, vector<16xf32>,
      %add3A_83 = arith.constant 1 : i32
      %add3A_84 = vector.broadcast %add3A_83 : i32 to vector<16xi32>
      %add3A_85 = arith.addi %mul3A_71, %add3A_84 : vector<16xi32>
      %gather3A_86 = tpu.vector_load_idx %arg10[%add3A_85] : memref<256xf32, #tpu.memory_space<vmem>>[vector<16xi32>], vector<16xf32>,
      %add3A_87 = arith.constant 4 : i32
      %add3A_88 = arith.addi %add3A_87, %shift_right_logical3A_60 : i32
      %mul3A_89 = arith.constant 128 : i32
      %mul3A_90 = arith.muli %add3A_88, %mul3A_89 : i32
      %mul3A_91 = arith.constant 16 : i32
      %mul3A_92 = arith.muli %and3A_62, %mul3A_91 : i32
      %add3A_93 = arith.addi %mul3A_90, %mul3A_92 : i32
      %swap3A_94 = arith.index_cast %add3A_93 : i32 to index
      %swap3A_95 = tpu.vector_load %arg12[%swap3A_94] {strides = array<i32>} : memref<2560xf32, #tpu.memory_space<vmem>>, vector<16xf32>,
      tpu.vector_store %arg12[%swap3A_94], %gather3A_86 {strides = array<i32>} : memref<2560xf32, #tpu.memory_space<vmem>>, vector<16xf32>,
      %add3A_96 = arith.constant 2 : i32
      %add3A_97 = vector.broadcast %add3A_96 : i32 to vector<16xi32>
      %add3A_98 = arith.addi %mul3A_71, %add3A_97 : vector<16xi32>
      %gather3A_99 = tpu.vector_load_idx %arg10[%add3A_98] : memref<256xf32, #tpu.memory_space<vmem>>[vector<16xi32>], vector<16xf32>,
      %add3A_100 = arith.constant 8 : i32
      %add3A_101 = arith.addi %add3A_100, %shift_right_logical3A_60 : i32
      %mul3A_102 = arith.constant 128 : i32
      %mul3A_103 = arith.muli %add3A_101, %mul3A_102 : i32
      %mul3A_104 = arith.constant 16 : i32
      %mul3A_105 = arith.muli %and3A_62, %mul3A_104 : i32
      %add3A_106 = arith.addi %mul3A_103, %mul3A_105 : i32
      %swap3A_107 = arith.index_cast %add3A_106 : i32 to index
      %swap3A_108 = tpu.vector_load %arg12[%swap3A_107] {strides = array<i32>} : memref<2560xf32, #tpu.memory_space<vmem>>, vector<16xf32>,
      tpu.vector_store %arg12[%swap3A_107], %gather3A_99 {strides = array<i32>} : memref<2560xf32, #tpu.memory_space<vmem>>, vector<16xf32>,
      %add3A_109 = arith.constant 3 : i32
      %add3A_110 = vector.broadcast %add3A_109 : i32 to vector<16xi32>
      %add3A_111 = arith.addi %mul3A_71, %add3A_110 : vector<16xi32>
      %gather3A_112 = tpu.vector_load_idx %arg10[%add3A_111] : memref<256xf32, #tpu.memory_space<vmem>>[vector<16xi32>], vector<16xf32>,
      %add3A_113 = arith.constant 12 : i32
      %add3A_114 = arith.addi %add3A_113, %shift_right_logical3A_60 : i32
      %mul3A_115 = arith.constant 128 : i32
      %mul3A_116 = arith.muli %add3A_114, %mul3A_115 : i32
      %mul3A_117 = arith.constant 16 : i32
      %mul3A_118 = arith.muli %and3A_62, %mul3A_117 : i32
      %add3A_119 = arith.addi %mul3A_116, %mul3A_118 : i32
      %swap3A_120 = arith.index_cast %add3A_119 : i32 to index
      %swap3A_121 = tpu.vector_load %arg12[%swap3A_120] {strides = array<i32>} : memref<2560xf32, #tpu.memory_space<vmem>>, vector<16xf32>,
      tpu.vector_store %arg12[%swap3A_120], %gather3A_112 {strides = array<i32>} : memref<2560xf32, #tpu.memory_space<vmem>>, vector<16xf32>,
      %add3A_122 = arith.constant 4 : i32
      %add3A_123 = vector.broadcast %add3A_122 : i32 to vector<16xi32>
      %add3A_124 = arith.addi %mul3A_71, %add3A_123 : vector<16xi32>
      %gather3A_125 = tpu.vector_load_idx %arg10[%add3A_124] : memref<256xf32, #tpu.memory_space<vmem>>[vector<16xi32>], vector<16xf32>,
      %add3A_126 = arith.constant 16 : i32
      %add3A_127 = arith.addi %add3A_126, %shift_right_logical3A_60 : i32
      %mul3A_128 = arith.constant 128 : i32
      %mul3A_129 = arith.muli %add3A_127, %mul3A_128 : i32
      %mul3A_130 = arith.constant 16 : i32
      %mul3A_131 = arith.muli %and3A_62, %mul3A_130 : i32
      %add3A_132 = arith.addi %mul3A_129, %mul3A_131 : i32
      %swap3A_133 = arith.index_cast %add3A_132 : i32 to index
      %swap3A_134 = tpu.vector_load %arg12[%swap3A_133] {strides = array<i32>} : memref<2560xf32, #tpu.memory_space<vmem>>, vector<16xf32>,
      tpu.vector_store %arg12[%swap3A_133], %gather3A_125 {strides = array<i32>} : memref<2560xf32, #tpu.memory_space<vmem>>, vector<16xf32>,
      %scan3A_135 = arith.constant 0 : i32
      scf.yield %scan3A_135 : i32
    }
    %scan3A_40 = arith.constant 32 : i32
    %dma_wait3A = tpu.memref_slice %arg2[%mul3A_13] : memref<1048576xf32, #tpu.memory_space<hbm>> -> memref<32768xf32, #tpu.memory_space<hbm>>
    %dma_wait3A_41 = tpu.memref_slice %arg2[%mul3A_13] : memref<1048576xf32, #tpu.memory_space<hbm>> -> memref<32768xf32, #tpu.memory_space<hbm>>
    tpu.wait_dma2 semaphore(%arg15 : memref<!tpu.dma_semaphore, #tpu.memory_space<semaphore_mem>>) src(%dma_wait3A_41 : memref<32768xf32, #tpu.memory_space<hbm>>) dst(%arg7 : memref<32768xf32, #tpu.memory_space<vmem>>)
    %scan3A_42 = arith.constant 0 : i32
    %scan3A_43 = arith.constant 0 : i32
    %scan3A_44 = arith.constant 16 : i32
    %scan3A_45 = arith.addi %scan3A_43, %scan3A_44 : i32
    %scan3A_46 = arith.constant 1 : i32
    %scan3A_47 = scf.for %scan3A_57 = %scan3A_43 to %scan3A_45 step %scan3A_46 iter_args(%scan3A_58 = %scan3A_42) -> (i32)  : i32 {
      %mul3A_59 = arith.constant 64 : i32
      %mul3A_60 = arith.muli %shift_right_logical3A_1, %mul3A_59 : i32
      %add3A_61 = arith.addi %mul3A_60, %mul3A_4 : i32
      %add3A_62 = arith.addi %add3A_61, %scan3A_57 : i32
      %mul3A_63 = arith.constant 25 : i32
      %mul3A_64 = arith.muli %add3A_62, %mul3A_63 : i32
      %mul3A_65 = arith.constant 4 : i32
      %mul3A_66 = arith.muli %mul3A_64, %mul3A_65 : i32
      %mul3A_67 = arith.constant 4 : i32
      %mul3A_68 = arith.muli %mul3A_66, %mul3A_67 : i32
      %mul3A_69 = arith.constant 128 : i32
      %mul3A_70 = arith.muli %mul3A_68, %mul3A_69 : i32
      %gt3A = arith.constant 0 : i32
      %gt3A_71 = arith.cmpi sgt, %scan3A_57, %gt3A : i32
      %convert_element_type3A = arith.extui %gt3A_71 : i1 to i32
      %cond3A = arith.constant 0 : i32
      %cond3A_72 = arith.cmpi ne, %convert_element_type3A, %cond3A : i32
      scf.if %cond3A_72 {
        %dma_wait3A_99 = arith.constant 0 : i32
        %dma_wait3A_100 = tpu.memref_slice %arg6[%dma_wait3A_99] : memref<26214400xf32, #tpu.memory_space<hbm>> -> memref<26624xf32, #tpu.memory_space<hbm>>
        %dma_wait3A_101 = arith.constant 0 : i32
        %dma_wait3A_102 = tpu.memref_slice %arg6[%dma_wait3A_101] : memref<26214400xf32, #tpu.memory_space<hbm>> -> memref<26624xf32, #tpu.memory_space<hbm>>
        tpu.wait_dma2 semaphore(%arg15 : memref<!tpu.dma_semaphore, #tpu.memory_space<semaphore_mem>>) src(%arg13 : memref<26624xf32, #tpu.memory_space<vmem>>) dst(%dma_wait3A_102 : memref<26624xf32, #tpu.memory_space<hbm>>)
      } else {
      }
      %scan3A_73 = arith.constant 0 : i32
      %scan3A_74 = arith.constant 0 : i32
      %scan3A_75 = arith.constant 32 : i32
      %scan3A_76 = arith.addi %scan3A_74, %scan3A_75 : i32
      %scan3A_77 = arith.constant 1 : i32
      %scan3A_78 = scf.for %scan3A_99 = %scan3A_74 to %scan3A_76 step %scan3A_77 iter_args(%scan3A_100 = %scan3A_73) -> (i32)  : i32 {
        %shift_right_logical3A_101 = arith.constant 3 : i32
        %shift_right_logical3A_102 = arith.shrui %scan3A_99, %shift_right_logical3A_101 : i32
        %and3A_103 = arith.constant 7 : i32
        %and3A_104 = arith.andi %scan3A_99, %and3A_103 : i32
        %mul3A_105 = arith.constant 128 : i32
        %mul3A_106 = arith.muli %shift_right_logical3A_102, %mul3A_105 : i32
        %mul3A_107 = arith.constant 16 : i32
        %mul3A_108 = arith.muli %and3A_104, %mul3A_107 : i32
        %add3A_109 = arith.addi %mul3A_106, %mul3A_108 : i32
        %mul3A_110 = arith.constant 4 : i32
        %mul3A_111 = arith.muli %scan3A_57, %mul3A_110 : i32
        %mul3A_112 = arith.constant 128 : i32
        %mul3A_113 = arith.muli %mul3A_111, %mul3A_112 : i32
        %add3A_114 = arith.addi %mul3A_113, %add3A_109 : i32
        %get3A = arith.index_cast %add3A_114 : i32 to index
        %get3A_115 = tpu.vector_load %arg11[%get3A] {strides = array<i32>} : memref<8192xi32, #tpu.memory_space<vmem>>, vector<16xi32>,
        %add3A_116 = arith.constant 0 : i32
        %add3A_117 = vector.broadcast %add3A_116 : i32 to vector<16xi32>
        %add3A_118 = arith.addi %get3A_115, %add3A_117 : vector<16xi32>
        %gather3A = tpu.vector_load_idx %arg10[%add3A_118] : memref<256xf32, #tpu.memory_space<vmem>>[vector<16xi32>], vector<16xf32>,
        %add3A_119 = arith.constant 1 : i32
        %add3A_120 = vector.broadcast %add3A_119 : i32 to vector<16xi32>
        %add3A_121 = arith.addi %get3A_115, %add3A_120 : vector<16xi32>
        %gather3A_122 = tpu.vector_load_idx %arg10[%add3A_121] : memref<256xf32, #tpu.memory_space<vmem>>[vector<16xi32>], vector<16xf32>,
        %add3A_123 = arith.constant 2 : i32
        %add3A_124 = vector.broadcast %add3A_123 : i32 to vector<16xi32>
        %add3A_125 = arith.addi %get3A_115, %add3A_124 : vector<16xi32>
        %gather3A_126 = tpu.vector_load_idx %arg10[%add3A_125] : memref<256xf32, #tpu.memory_space<vmem>>[vector<16xi32>], vector<16xf32>,
        %add3A_127 = arith.constant 3 : i32
        %add3A_128 = vector.broadcast %add3A_127 : i32 to vector<16xi32>
        %add3A_129 = arith.addi %get3A_115, %add3A_128 : vector<16xi32>
        %gather3A_130 = tpu.vector_load_idx %arg10[%add3A_129] : memref<256xf32, #tpu.memory_space<vmem>>[vector<16xi32>], vector<16xf32>,
        %add3A_131 = arith.constant 4 : i32
        %add3A_132 = vector.broadcast %add3A_131 : i32 to vector<16xi32>
        %add3A_133 = arith.addi %get3A_115, %add3A_132 : vector<16xi32>
        %gather3A_134 = tpu.vector_load_idx %arg10[%add3A_133] : memref<256xf32, #tpu.memory_space<vmem>>[vector<16xi32>], vector<16xf32>,
        %mul3A_135 = arith.constant 4 : i32
        %mul3A_136 = arith.muli %scan3A_57, %mul3A_135 : i32
        %add3A_137 = arith.addi %mul3A_136, %shift_right_logical3A_102 : i32
        %mul3A_138 = arith.constant 512 : i32
        %mul3A_139 = arith.muli %add3A_137, %mul3A_138 : i32
        %add3A_140 = arith.constant 0 : i32
        %add3A_141 = arith.addi %mul3A_139, %add3A_140 : i32
        %mul3A_142 = arith.constant 16 : i32
        %mul3A_143 = arith.muli %and3A_104, %mul3A_142 : i32
        %add3A_144 = arith.addi %add3A_141, %mul3A_143 : i32
        %get3A_145 = arith.index_cast %add3A_144 : i32 to index
        %get3A_146 = tpu.vector_load %arg7[%get3A_145] {strides = array<i32>} : memref<32768xf32, #tpu.memory_space<vmem>>, vector<16xf32>,
        %mul3A_147 = arith.constant 4 : i32
        %mul3A_148 = arith.muli %scan3A_57, %mul3A_147 : i32
        %add3A_149 = arith.addi %mul3A_148, %shift_right_logical3A_102 : i32
        %mul3A_150 = arith.constant 512 : i32
        %mul3A_151 = arith.muli %add3A_149, %mul3A_150 : i32
        %add3A_152 = arith.constant 128 : i32
        %add3A_153 = arith.addi %mul3A_151, %add3A_152 : i32
        %mul3A_154 = arith.constant 16 : i32
        %mul3A_155 = arith.muli %and3A_104, %mul3A_154 : i32
        %add3A_156 = arith.addi %add3A_153, %mul3A_155 : i32
        %get3A_157 = arith.index_cast %add3A_156 : i32 to index
        %get3A_158 = tpu.vector_load %arg7[%get3A_157] {strides = array<i32>} : memref<32768xf32, #tpu.memory_space<vmem>>, vector<16xf32>,
        %mul3A_159 = arith.constant 4 : i32
        %mul3A_160 = arith.muli %scan3A_57, %mul3A_159 : i32
        %add3A_161 = arith.addi %mul3A_160, %shift_right_logical3A_102 : i32
        %mul3A_162 = arith.constant 512 : i32
        %mul3A_163 = arith.muli %add3A_161, %mul3A_162 : i32
        %add3A_164 = arith.constant 256 : i32
        %add3A_165 = arith.addi %mul3A_163, %add3A_164 : i32
        %mul3A_166 = arith.constant 16 : i32
        %mul3A_167 = arith.muli %and3A_104, %mul3A_166 : i32
        %add3A_168 = arith.addi %add3A_165, %mul3A_167 : i32
        %get3A_169 = arith.index_cast %add3A_168 : i32 to index
        %get3A_170 = tpu.vector_load %arg7[%get3A_169] {strides = array<i32>} : memref<32768xf32, #tpu.memory_space<vmem>>, vector<16xf32>,
        %mul3A_171 = arith.constant 4 : i32
        %mul3A_172 = arith.muli %scan3A_57, %mul3A_171 : i32
        %add3A_173 = arith.addi %mul3A_172, %shift_right_logical3A_102 : i32
        %mul3A_174 = arith.constant 512 : i32
        %mul3A_175 = arith.muli %add3A_173, %mul3A_174 : i32
        %add3A_176 = arith.constant 384 : i32
        %add3A_177 = arith.addi %mul3A_175, %add3A_176 : i32
        %mul3A_178 = arith.constant 16 : i32
        %mul3A_179 = arith.muli %and3A_104, %mul3A_178 : i32
        %add3A_180 = arith.addi %add3A_177, %mul3A_179 : i32
        %get3A_181 = arith.index_cast %add3A_180 : i32 to index
        %get3A_182 = tpu.vector_load %arg7[%get3A_181] {strides = array<i32>} : memref<32768xf32, #tpu.memory_space<vmem>>, vector<16xf32>,
        %add3A_183 = arith.constant 0 : i32
        %add3A_184 = arith.addi %add3A_183, %add3A_109 : i32
        %get3A_185 = arith.index_cast %add3A_184 : i32 to index
        %get3A_186 = tpu.vector_load %arg12[%get3A_185] {strides = array<i32>} : memref<2560xf32, #tpu.memory_space<vmem>>, vector<16xf32>,
        %add3A_187 = arith.constant 512 : i32
        %add3A_188 = arith.addi %add3A_187, %add3A_109 : i32
        %get3A_189 = arith.index_cast %add3A_188 : i32 to index
        %get3A_190 = tpu.vector_load %arg12[%get3A_189] {strides = array<i32>} : memref<2560xf32, #tpu.memory_space<vmem>>, vector<16xf32>,
        %add3A_191 = arith.constant 1024 : i32
        %add3A_192 = arith.addi %add3A_191, %add3A_109 : i32
        %get3A_193 = arith.index_cast %add3A_192 : i32 to index
        %get3A_194 = tpu.vector_load %arg12[%get3A_193] {strides = array<i32>} : memref<2560xf32, #tpu.memory_space<vmem>>, vector<16xf32>,
        %mul3A_195 = arith.constant 512 : i32
        %mul3A_196 = arith.muli %shift_right_logical3A_102, %mul3A_195 : i32
        %mul3A_197 = arith.constant 16 : i32
        %mul3A_198 = arith.muli %and3A_104, %mul3A_197 : i32
        %add3A_199 = arith.addi %mul3A_196, %mul3A_198 : i32
        %mul3A_200 = arith.mulf %get3A_186, %gather3A : vector<16xf32>
        %mul3A_201 = arith.mulf %mul3A_200, %get3A_146 : vector<16xf32>
        %add3A_202 = arith.constant 0 : i32
        %add3A_203 = arith.addi %add3A_202, %add3A_199 : i32
        %swap3A = arith.index_cast %add3A_203 : i32 to index
        %swap3A_204 = tpu.vector_load %arg13[%swap3A] {strides = array<i32>} : memref<26624xf32, #tpu.memory_space<vmem>>, vector<16xf32>,
        tpu.vector_store %arg13[%swap3A], %mul3A_201 {strides = array<i32>} : memref<26624xf32, #tpu.memory_space<vmem>>, vector<16xf32>,
        %mul3A_205 = arith.mulf %mul3A_200, %get3A_158 : vector<16xf32>
        %add3A_206 = arith.constant 128 : i32
        %add3A_207 = arith.addi %add3A_206, %add3A_199 : i32
        %swap3A_208 = arith.index_cast %add3A_207 : i32 to index
        %swap3A_209 = tpu.vector_load %arg13[%swap3A_208] {strides = array<i32>} : memref<26624xf32, #tpu.memory_space<vmem>>, vector<16xf32>,
        tpu.vector_store %arg13[%swap3A_208], %mul3A_205 {strides = array<i32>} : memref<26624xf32, #tpu.memory_space<vmem>>, vector<16xf32>,
        %mul3A_210 = arith.mulf %mul3A_200, %get3A_170 : vector<16xf32>
        %add3A_211 = arith.constant 256 : i32
        %add3A_212 = arith.addi %add3A_211, %add3A_199 : i32
        %swap3A_213 = arith.index_cast %add3A_212 : i32 to index
        %swap3A_214 = tpu.vector_load %arg13[%swap3A_213] {strides = array<i32>} : memref<26624xf32, #tpu.memory_space<vmem>>, vector<16xf32>,
        tpu.vector_store %arg13[%swap3A_213], %mul3A_210 {strides = array<i32>} : memref<26624xf32, #tpu.memory_space<vmem>>, vector<16xf32>,
        %mul3A_215 = arith.mulf %mul3A_200, %get3A_182 : vector<16xf32>
        %add3A_216 = arith.constant 384 : i32
        %add3A_217 = arith.addi %add3A_216, %add3A_199 : i32
        %swap3A_218 = arith.index_cast %add3A_217 : i32 to index
        %swap3A_219 = tpu.vector_load %arg13[%swap3A_218] {strides = array<i32>} : memref<26624xf32, #tpu.memory_space<vmem>>, vector<16xf32>,
        tpu.vector_store %arg13[%swap3A_218], %mul3A_215 {strides = array<i32>} : memref<26624xf32, #tpu.memory_space<vmem>>, vector<16xf32>,
        %mul3A_220 = arith.mulf %get3A_186, %gather3A_122 : vector<16xf32>
        %mul3A_221 = arith.mulf %mul3A_220, %get3A_146 : vector<16xf32>
        %add3A_222 = arith.constant 2048 : i32
        %add3A_223 = arith.addi %add3A_222, %add3A_199 : i32
        %swap3A_224 = arith.index_cast %add3A_223 : i32 to index
        %swap3A_225 = tpu.vector_load %arg13[%swap3A_224] {strides = array<i32>} : memref<26624xf32, #tpu.memory_space<vmem>>, vector<16xf32>,
        tpu.vector_store %arg13[%swap3A_224], %mul3A_221 {strides = array<i32>} : memref<26624xf32, #tpu.memory_space<vmem>>, vector<16xf32>,
        %mul3A_226 = arith.mulf %mul3A_220, %get3A_158 : vector<16xf32>
        %add3A_227 = arith.constant 2176 : i32
        %add3A_228 = arith.addi %add3A_227, %add3A_199 : i32
        %swap3A_229 = arith.index_cast %add3A_228 : i32 to index
        %swap3A_230 = tpu.vector_load %arg13[%swap3A_229] {strides = array<i32>} : memref<26624xf32, #tpu.memory_space<vmem>>, vector<16xf32>,
        tpu.vector_store %arg13[%swap3A_229], %mul3A_226 {strides = array<i32>} : memref<26624xf32, #tpu.memory_space<vmem>>, vector<16xf32>,
        %mul3A_231 = arith.mulf %mul3A_220, %get3A_170 : vector<16xf32>
        %add3A_232 = arith.constant 2304 : i32
        %add3A_233 = arith.addi %add3A_232, %add3A_199 : i32
        %swap3A_234 = arith.index_cast %add3A_233 : i32 to index
        %swap3A_235 = tpu.vector_load %arg13[%swap3A_234] {strides = array<i32>} : memref<26624xf32, #tpu.memory_space<vmem>>, vector<16xf32>,
        tpu.vector_store %arg13[%swap3A_234], %mul3A_231 {strides = array<i32>} : memref<26624xf32, #tpu.memory_space<vmem>>, vector<16xf32>,
        %mul3A_236 = arith.mulf %mul3A_220, %get3A_182 : vector<16xf32>
        %add3A_237 = arith.constant 2432 : i32
        %add3A_238 = arith.addi %add3A_237, %add3A_199 : i32
        %swap3A_239 = arith.index_cast %add3A_238 : i32 to index
        %swap3A_240 = tpu.vector_load %arg13[%swap3A_239] {strides = array<i32>} : memref<26624xf32, #tpu.memory_space<vmem>>, vector<16xf32>,
        tpu.vector_store %arg13[%swap3A_239], %mul3A_236 {strides = array<i32>} : memref<26624xf32, #tpu.memory_space<vmem>>, vector<16xf32>,
        %mul3A_241 = arith.mulf %get3A_186, %gather3A_126 : vector<16xf32>
        %mul3A_242 = arith.mulf %mul3A_241, %get3A_146 : vector<16xf32>
        %add3A_243 = arith.constant 4096 : i32
        %add3A_244 = arith.addi %add3A_243, %add3A_199 : i32
        %swap3A_245 = arith.index_cast %add3A_244 : i32 to index
        %swap3A_246 = tpu.vector_load %arg13[%swap3A_245] {strides = array<i32>} : memref<26624xf32, #tpu.memory_space<vmem>>, vector<16xf32>,
        tpu.vector_store %arg13[%swap3A_245], %mul3A_242 {strides = array<i32>} : memref<26624xf32, #tpu.memory_space<vmem>>, vector<16xf32>,
        %mul3A_247 = arith.mulf %mul3A_241, %get3A_158 : vector<16xf32>
        %add3A_248 = arith.constant 4224 : i32
        %add3A_249 = arith.addi %add3A_248, %add3A_199 : i32
        %swap3A_250 = arith.index_cast %add3A_249 : i32 to index
        %swap3A_251 = tpu.vector_load %arg13[%swap3A_250] {strides = array<i32>} : memref<26624xf32, #tpu.memory_space<vmem>>, vector<16xf32>,
        tpu.vector_store %arg13[%swap3A_250], %mul3A_247 {strides = array<i32>} : memref<26624xf32, #tpu.memory_space<vmem>>, vector<16xf32>,
        %mul3A_252 = arith.mulf %mul3A_241, %get3A_170 : vector<16xf32>
        %add3A_253 = arith.constant 4352 : i32
        %add3A_254 = arith.addi %add3A_253, %add3A_199 : i32
        %swap3A_255 = arith.index_cast %add3A_254 : i32 to index
        %swap3A_256 = tpu.vector_load %arg13[%swap3A_255] {strides = array<i32>} : memref<26624xf32, #tpu.memory_space<vmem>>, vector<16xf32>,
        tpu.vector_store %arg13[%swap3A_255], %mul3A_252 {strides = array<i32>} : memref<26624xf32, #tpu.memory_space<vmem>>, vector<16xf32>,
        %mul3A_257 = arith.mulf %mul3A_241, %get3A_182 : vector<16xf32>
        %add3A_258 = arith.constant 4480 : i32
        %add3A_259 = arith.addi %add3A_258, %add3A_199 : i32
        %swap3A_260 = arith.index_cast %add3A_259 : i32 to index
        %swap3A_261 = tpu.vector_load %arg13[%swap3A_260] {strides = array<i32>} : memref<26624xf32, #tpu.memory_space<vmem>>, vector<16xf32>,
        tpu.vector_store %arg13[%swap3A_260], %mul3A_257 {strides = array<i32>} : memref<26624xf32, #tpu.memory_space<vmem>>, vector<16xf32>,
        %mul3A_262 = arith.mulf %get3A_186, %gather3A_130 : vector<16xf32>
        %mul3A_263 = arith.mulf %mul3A_262, %get3A_146 : vector<16xf32>
        %add3A_264 = arith.constant 6144 : i32
        %add3A_265 = arith.addi %add3A_264, %add3A_199 : i32
        %swap3A_266 = arith.index_cast %add3A_265 : i32 to index
        %swap3A_267 = tpu.vector_load %arg13[%swap3A_266] {strides = array<i32>} : memref<26624xf32, #tpu.memory_space<vmem>>, vector<16xf32>,
        tpu.vector_store %arg13[%swap3A_266], %mul3A_263 {strides = array<i32>} : memref<26624xf32, #tpu.memory_space<vmem>>, vector<16xf32>,
        %mul3A_268 = arith.mulf %mul3A_262, %get3A_158 : vector<16xf32>
        %add3A_269 = arith.constant 6272 : i32
        %add3A_270 = arith.addi %add3A_269, %add3A_199 : i32
        %swap3A_271 = arith.index_cast %add3A_270 : i32 to index
        %swap3A_272 = tpu.vector_load %arg13[%swap3A_271] {strides = array<i32>} : memref<26624xf32, #tpu.memory_space<vmem>>, vector<16xf32>,
        tpu.vector_store %arg13[%swap3A_271], %mul3A_268 {strides = array<i32>} : memref<26624xf32, #tpu.memory_space<vmem>>, vector<16xf32>,
        %mul3A_273 = arith.mulf %mul3A_262, %get3A_170 : vector<16xf32>
        %add3A_274 = arith.constant 6400 : i32
        %add3A_275 = arith.addi %add3A_274, %add3A_199 : i32
        %swap3A_276 = arith.index_cast %add3A_275 : i32 to index
        %swap3A_277 = tpu.vector_load %arg13[%swap3A_276] {strides = array<i32>} : memref<26624xf32, #tpu.memory_space<vmem>>, vector<16xf32>,
        tpu.vector_store %arg13[%swap3A_276], %mul3A_273 {strides = array<i32>} : memref<26624xf32, #tpu.memory_space<vmem>>, vector<16xf32>,
        %mul3A_278 = arith.mulf %mul3A_262, %get3A_182 : vector<16xf32>
        %add3A_279 = arith.constant 6528 : i32
        %add3A_280 = arith.addi %add3A_279, %add3A_199 : i32
        %swap3A_281 = arith.index_cast %add3A_280 : i32 to index
        %swap3A_282 = tpu.vector_load %arg13[%swap3A_281] {strides = array<i32>} : memref<26624xf32, #tpu.memory_space<vmem>>, vector<16xf32>,
        tpu.vector_store %arg13[%swap3A_281], %mul3A_278 {strides = array<i32>} : memref<26624xf32, #tpu.memory_space<vmem>>, vector<16xf32>,
        %mul3A_283 = arith.mulf %get3A_186, %gather3A_134 : vector<16xf32>
        %mul3A_284 = arith.mulf %mul3A_283, %get3A_146 : vector<16xf32>
        %add3A_285 = arith.constant 8192 : i32
        %add3A_286 = arith.addi %add3A_285, %add3A_199 : i32
        %swap3A_287 = arith.index_cast %add3A_286 : i32 to index
        %swap3A_288 = tpu.vector_load %arg13[%swap3A_287] {strides = array<i32>} : memref<26624xf32, #tpu.memory_space<vmem>>, vector<16xf32>,
        tpu.vector_store %arg13[%swap3A_287], %mul3A_284 {strides = array<i32>} : memref<26624xf32, #tpu.memory_space<vmem>>, vector<16xf32>,
        %mul3A_289 = arith.mulf %mul3A_283, %get3A_158 : vector<16xf32>
        %add3A_290 = arith.constant 8320 : i32
        %add3A_291 = arith.addi %add3A_290, %add3A_199 : i32
        %swap3A_292 = arith.index_cast %add3A_291 : i32 to index
        %swap3A_293 = tpu.vector_load %arg13[%swap3A_292] {strides = array<i32>} : memref<26624xf32, #tpu.memory_space<vmem>>, vector<16xf32>,
        tpu.vector_store %arg13[%swap3A_292], %mul3A_289 {strides = array<i32>} : memref<26624xf32, #tpu.memory_space<vmem>>, vector<16xf32>,
        %mul3A_294 = arith.mulf %mul3A_283, %get3A_170 : vector<16xf32>
        %add3A_295 = arith.constant 8448 : i32
        %add3A_296 = arith.addi %add3A_295, %add3A_199 : i32
        %swap3A_297 = arith.index_cast %add3A_296 : i32 to index
        %swap3A_298 = tpu.vector_load %arg13[%swap3A_297] {strides = array<i32>} : memref<26624xf32, #tpu.memory_space<vmem>>, vector<16xf32>,
        tpu.vector_store %arg13[%swap3A_297], %mul3A_294 {strides = array<i32>} : memref<26624xf32, #tpu.memory_space<vmem>>, vector<16xf32>,
        %mul3A_299 = arith.mulf %mul3A_283, %get3A_182 : vector<16xf32>
        %add3A_300 = arith.constant 8576 : i32
        %add3A_301 = arith.addi %add3A_300, %add3A_199 : i32
        %swap3A_302 = arith.index_cast %add3A_301 : i32 to index
        %swap3A_303 = tpu.vector_load %arg13[%swap3A_302] {strides = array<i32>} : memref<26624xf32, #tpu.memory_space<vmem>>, vector<16xf32>,
        tpu.vector_store %arg13[%swap3A_302], %mul3A_299 {strides = array<i32>} : memref<26624xf32, #tpu.memory_space<vmem>>, vector<16xf32>,
        %mul3A_304 = arith.mulf %get3A_190, %gather3A : vector<16xf32>
        %mul3A_305 = arith.mulf %mul3A_304, %get3A_146 : vector<16xf32>
        %add3A_306 = arith.constant 10240 : i32
        %add3A_307 = arith.addi %add3A_306, %add3A_199 : i32
        %swap3A_308 = arith.index_cast %add3A_307 : i32 to index
        %swap3A_309 = tpu.vector_load %arg13[%swap3A_308] {strides = array<i32>} : memref<26624xf32, #tpu.memory_space<vmem>>, vector<16xf32>,
        tpu.vector_store %arg13[%swap3A_308], %mul3A_305 {strides = array<i32>} : memref<26624xf32, #tpu.memory_space<vmem>>, vector<16xf32>,
        %mul3A_310 = arith.mulf %mul3A_304, %get3A_158 : vector<16xf32>
        %add3A_311 = arith.constant 10368 : i32
        %add3A_312 = arith.addi %add3A_311, %add3A_199 : i32
        %swap3A_313 = arith.index_cast %add3A_312 : i32 to index
        %swap3A_314 = tpu.vector_load %arg13[%swap3A_313] {strides = array<i32>} : memref<26624xf32, #tpu.memory_space<vmem>>, vector<16xf32>,
        tpu.vector_store %arg13[%swap3A_313], %mul3A_310 {strides = array<i32>} : memref<26624xf32, #tpu.memory_space<vmem>>, vector<16xf32>,
        %mul3A_315 = arith.mulf %mul3A_304, %get3A_170 : vector<16xf32>
        %add3A_316 = arith.constant 10496 : i32
        %add3A_317 = arith.addi %add3A_316, %add3A_199 : i32
        %swap3A_318 = arith.index_cast %add3A_317 : i32 to index
        %swap3A_319 = tpu.vector_load %arg13[%swap3A_318] {strides = array<i32>} : memref<26624xf32, #tpu.memory_space<vmem>>, vector<16xf32>,
        tpu.vector_store %arg13[%swap3A_318], %mul3A_315 {strides = array<i32>} : memref<26624xf32, #tpu.memory_space<vmem>>, vector<16xf32>,
        %mul3A_320 = arith.mulf %mul3A_304, %get3A_182 : vector<16xf32>
        %add3A_321 = arith.constant 10624 : i32
        %add3A_322 = arith.addi %add3A_321, %add3A_199 : i32
        %swap3A_323 = arith.index_cast %add3A_322 : i32 to index
        %swap3A_324 = tpu.vector_load %arg13[%swap3A_323] {strides = array<i32>} : memref<26624xf32, #tpu.memory_space<vmem>>, vector<16xf32>,
        tpu.vector_store %arg13[%swap3A_323], %mul3A_320 {strides = array<i32>} : memref<26624xf32, #tpu.memory_space<vmem>>, vector<16xf32>,
        %mul3A_325 = arith.mulf %get3A_190, %gather3A_122 : vector<16xf32>
        %mul3A_326 = arith.mulf %mul3A_325, %get3A_146 : vector<16xf32>
        %add3A_327 = arith.constant 12288 : i32
        %add3A_328 = arith.addi %add3A_327, %add3A_199 : i32
        %swap3A_329 = arith.index_cast %add3A_328 : i32 to index
        %swap3A_330 = tpu.vector_load %arg13[%swap3A_329] {strides = array<i32>} : memref<26624xf32, #tpu.memory_space<vmem>>, vector<16xf32>,
        tpu.vector_store %arg13[%swap3A_329], %mul3A_326 {strides = array<i32>} : memref<26624xf32, #tpu.memory_space<vmem>>, vector<16xf32>,
        %mul3A_331 = arith.mulf %mul3A_325, %get3A_158 : vector<16xf32>
        %add3A_332 = arith.constant 12416 : i32
        %add3A_333 = arith.addi %add3A_332, %add3A_199 : i32
        %swap3A_334 = arith.index_cast %add3A_333 : i32 to index
        %swap3A_335 = tpu.vector_load %arg13[%swap3A_334] {strides = array<i32>} : memref<26624xf32, #tpu.memory_space<vmem>>, vector<16xf32>,
        tpu.vector_store %arg13[%swap3A_334], %mul3A_331 {strides = array<i32>} : memref<26624xf32, #tpu.memory_space<vmem>>, vector<16xf32>,
        %mul3A_336 = arith.mulf %mul3A_325, %get3A_170 : vector<16xf32>
        %add3A_337 = arith.constant 12544 : i32
        %add3A_338 = arith.addi %add3A_337, %add3A_199 : i32
        %swap3A_339 = arith.index_cast %add3A_338 : i32 to index
        %swap3A_340 = tpu.vector_load %arg13[%swap3A_339] {strides = array<i32>} : memref<26624xf32, #tpu.memory_space<vmem>>, vector<16xf32>,
        tpu.vector_store %arg13[%swap3A_339], %mul3A_336 {strides = array<i32>} : memref<26624xf32, #tpu.memory_space<vmem>>, vector<16xf32>,
        %mul3A_341 = arith.mulf %mul3A_325, %get3A_182 : vector<16xf32>
        %add3A_342 = arith.constant 12672 : i32
        %add3A_343 = arith.addi %add3A_342, %add3A_199 : i32
        %swap3A_344 = arith.index_cast %add3A_343 : i32 to index
        %swap3A_345 = tpu.vector_load %arg13[%swap3A_344] {strides = array<i32>} : memref<26624xf32, #tpu.memory_space<vmem>>, vector<16xf32>,
        tpu.vector_store %arg13[%swap3A_344], %mul3A_341 {strides = array<i32>} : memref<26624xf32, #tpu.memory_space<vmem>>, vector<16xf32>,
        %mul3A_346 = arith.mulf %get3A_190, %gather3A_126 : vector<16xf32>
        %mul3A_347 = arith.mulf %mul3A_346, %get3A_146 : vector<16xf32>
        %add3A_348 = arith.constant 14336 : i32
        %add3A_349 = arith.addi %add3A_348, %add3A_199 : i32
        %swap3A_350 = arith.index_cast %add3A_349 : i32 to index
        %swap3A_351 = tpu.vector_load %arg13[%swap3A_350] {strides = array<i32>} : memref<26624xf32, #tpu.memory_space<vmem>>, vector<16xf32>,
        tpu.vector_store %arg13[%swap3A_350], %mul3A_347 {strides = array<i32>} : memref<26624xf32, #tpu.memory_space<vmem>>, vector<16xf32>,
        %mul3A_352 = arith.mulf %mul3A_346, %get3A_158 : vector<16xf32>
        %add3A_353 = arith.constant 14464 : i32
        %add3A_354 = arith.addi %add3A_353, %add3A_199 : i32
        %swap3A_355 = arith.index_cast %add3A_354 : i32 to index
        %swap3A_356 = tpu.vector_load %arg13[%swap3A_355] {strides = array<i32>} : memref<26624xf32, #tpu.memory_space<vmem>>, vector<16xf32>,
        tpu.vector_store %arg13[%swap3A_355], %mul3A_352 {strides = array<i32>} : memref<26624xf32, #tpu.memory_space<vmem>>, vector<16xf32>,
        %mul3A_357 = arith.mulf %mul3A_346, %get3A_170 : vector<16xf32>
        %add3A_358 = arith.constant 14592 : i32
        %add3A_359 = arith.addi %add3A_358, %add3A_199 : i32
        %swap3A_360 = arith.index_cast %add3A_359 : i32 to index
        %swap3A_361 = tpu.vector_load %arg13[%swap3A_360] {strides = array<i32>} : memref<26624xf32, #tpu.memory_space<vmem>>, vector<16xf32>,
        tpu.vector_store %arg13[%swap3A_360], %mul3A_357 {strides = array<i32>} : memref<26624xf32, #tpu.memory_space<vmem>>, vector<16xf32>,
        %mul3A_362 = arith.mulf %mul3A_346, %get3A_182 : vector<16xf32>
        %add3A_363 = arith.constant 14720 : i32
        %add3A_364 = arith.addi %add3A_363, %add3A_199 : i32
        %swap3A_365 = arith.index_cast %add3A_364 : i32 to index
        %swap3A_366 = tpu.vector_load %arg13[%swap3A_365] {strides = array<i32>} : memref<26624xf32, #tpu.memory_space<vmem>>, vector<16xf32>,
        tpu.vector_store %arg13[%swap3A_365], %mul3A_362 {strides = array<i32>} : memref<26624xf32, #tpu.memory_space<vmem>>, vector<16xf32>,
        %mul3A_367 = arith.mulf %get3A_190, %gather3A_130 : vector<16xf32>
        %mul3A_368 = arith.mulf %mul3A_367, %get3A_146 : vector<16xf32>
        %add3A_369 = arith.constant 16384 : i32
        %add3A_370 = arith.addi %add3A_369, %add3A_199 : i32
        %swap3A_371 = arith.index_cast %add3A_370 : i32 to index
        %swap3A_372 = tpu.vector_load %arg13[%swap3A_371] {strides = array<i32>} : memref<26624xf32, #tpu.memory_space<vmem>>, vector<16xf32>,
        tpu.vector_store %arg13[%swap3A_371], %mul3A_368 {strides = array<i32>} : memref<26624xf32, #tpu.memory_space<vmem>>, vector<16xf32>,
        %mul3A_373 = arith.mulf %mul3A_367, %get3A_158 : vector<16xf32>
        %add3A_374 = arith.constant 16512 : i32
        %add3A_375 = arith.addi %add3A_374, %add3A_199 : i32
        %swap3A_376 = arith.index_cast %add3A_375 : i32 to index
        %swap3A_377 = tpu.vector_load %arg13[%swap3A_376] {strides = array<i32>} : memref<26624xf32, #tpu.memory_space<vmem>>, vector<16xf32>,
        tpu.vector_store %arg13[%swap3A_376], %mul3A_373 {strides = array<i32>} : memref<26624xf32, #tpu.memory_space<vmem>>, vector<16xf32>,
        %mul3A_378 = arith.mulf %mul3A_367, %get3A_170 : vector<16xf32>
        %add3A_379 = arith.constant 16640 : i32
        %add3A_380 = arith.addi %add3A_379, %add3A_199 : i32
        %swap3A_381 = arith.index_cast %add3A_380 : i32 to index
        %swap3A_382 = tpu.vector_load %arg13[%swap3A_381] {strides = array<i32>} : memref<26624xf32, #tpu.memory_space<vmem>>, vector<16xf32>,
        tpu.vector_store %arg13[%swap3A_381], %mul3A_378 {strides = array<i32>} : memref<26624xf32, #tpu.memory_space<vmem>>, vector<16xf32>,
        %mul3A_383 = arith.mulf %mul3A_367, %get3A_182 : vector<16xf32>
        %add3A_384 = arith.constant 16768 : i32
        %add3A_385 = arith.addi %add3A_384, %add3A_199 : i32
        %swap3A_386 = arith.index_cast %add3A_385 : i32 to index
        %swap3A_387 = tpu.vector_load %arg13[%swap3A_386] {strides = array<i32>} : memref<26624xf32, #tpu.memory_space<vmem>>, vector<16xf32>,
        tpu.vector_store %arg13[%swap3A_386], %mul3A_383 {strides = array<i32>} : memref<26624xf32, #tpu.memory_space<vmem>>, vector<16xf32>,
        %mul3A_388 = arith.mulf %get3A_190, %gather3A_134 : vector<16xf32>
        %mul3A_389 = arith.mulf %mul3A_388, %get3A_146 : vector<16xf32>
        %add3A_390 = arith.constant 18432 : i32
        %add3A_391 = arith.addi %add3A_390, %add3A_199 : i32
        %swap3A_392 = arith.index_cast %add3A_391 : i32 to index
        %swap3A_393 = tpu.vector_load %arg13[%swap3A_392] {strides = array<i32>} : memref<26624xf32, #tpu.memory_space<vmem>>, vector<16xf32>,
        tpu.vector_store %arg13[%swap3A_392], %mul3A_389 {strides = array<i32>} : memref<26624xf32, #tpu.memory_space<vmem>>, vector<16xf32>,
        %mul3A_394 = arith.mulf %mul3A_388, %get3A_158 : vector<16xf32>
        %add3A_395 = arith.constant 18560 : i32
        %add3A_396 = arith.addi %add3A_395, %add3A_199 : i32
        %swap3A_397 = arith.index_cast %add3A_396 : i32 to index
        %swap3A_398 = tpu.vector_load %arg13[%swap3A_397] {strides = array<i32>} : memref<26624xf32, #tpu.memory_space<vmem>>, vector<16xf32>,
        tpu.vector_store %arg13[%swap3A_397], %mul3A_394 {strides = array<i32>} : memref<26624xf32, #tpu.memory_space<vmem>>, vector<16xf32>,
        %mul3A_399 = arith.mulf %mul3A_388, %get3A_170 : vector<16xf32>
        %add3A_400 = arith.constant 18688 : i32
        %add3A_401 = arith.addi %add3A_400, %add3A_199 : i32
        %swap3A_402 = arith.index_cast %add3A_401 : i32 to index
        %swap3A_403 = tpu.vector_load %arg13[%swap3A_402] {strides = array<i32>} : memref<26624xf32, #tpu.memory_space<vmem>>, vector<16xf32>,
        tpu.vector_store %arg13[%swap3A_402], %mul3A_399 {strides = array<i32>} : memref<26624xf32, #tpu.memory_space<vmem>>, vector<16xf32>,
        %mul3A_404 = arith.mulf %mul3A_388, %get3A_182 : vector<16xf32>
        %add3A_405 = arith.constant 18816 : i32
        %add3A_406 = arith.addi %add3A_405, %add3A_199 : i32
        %swap3A_407 = arith.index_cast %add3A_406 : i32 to index
        %swap3A_408 = tpu.vector_load %arg13[%swap3A_407] {strides = array<i32>} : memref<26624xf32, #tpu.memory_space<vmem>>, vector<16xf32>,
        tpu.vector_store %arg13[%swap3A_407], %mul3A_404 {strides = array<i32>} : memref<26624xf32, #tpu.memory_space<vmem>>, vector<16xf32>,
        %mul3A_409 = arith.mulf %get3A_194, %gather3A : vector<16xf32>
        %mul3A_410 = arith.mulf %mul3A_409, %get3A_146 : vector<16xf32>
        %add3A_411 = arith.constant 20480 : i32
        %add3A_412 = arith.addi %add3A_411, %add3A_199 : i32
        %swap3A_413 = arith.index_cast %add3A_412 : i32 to index
        %swap3A_414 = tpu.vector_load %arg13[%swap3A_413] {strides = array<i32>} : memref<26624xf32, #tpu.memory_space<vmem>>, vector<16xf32>,
        tpu.vector_store %arg13[%swap3A_413], %mul3A_410 {strides = array<i32>} : memref<26624xf32, #tpu.memory_space<vmem>>, vector<16xf32>,
        %mul3A_415 = arith.mulf %mul3A_409, %get3A_158 : vector<16xf32>
        %add3A_416 = arith.constant 20608 : i32
        %add3A_417 = arith.addi %add3A_416, %add3A_199 : i32
        %swap3A_418 = arith.index_cast %add3A_417 : i32 to index
        %swap3A_419 = tpu.vector_load %arg13[%swap3A_418] {strides = array<i32>} : memref<26624xf32, #tpu.memory_space<vmem>>, vector<16xf32>,
        tpu.vector_store %arg13[%swap3A_418], %mul3A_415 {strides = array<i32>} : memref<26624xf32, #tpu.memory_space<vmem>>, vector<16xf32>,
        %mul3A_420 = arith.mulf %mul3A_409, %get3A_170 : vector<16xf32>
        %add3A_421 = arith.constant 20736 : i32
        %add3A_422 = arith.addi %add3A_421, %add3A_199 : i32
        %swap3A_423 = arith.index_cast %add3A_422 : i32 to index
        %swap3A_424 = tpu.vector_load %arg13[%swap3A_423] {strides = array<i32>} : memref<26624xf32, #tpu.memory_space<vmem>>, vector<16xf32>,
        tpu.vector_store %arg13[%swap3A_423], %mul3A_420 {strides = array<i32>} : memref<26624xf32, #tpu.memory_space<vmem>>, vector<16xf32>,
        %mul3A_425 = arith.mulf %mul3A_409, %get3A_182 : vector<16xf32>
        %add3A_426 = arith.constant 20864 : i32
        %add3A_427 = arith.addi %add3A_426, %add3A_199 : i32
        %swap3A_428 = arith.index_cast %add3A_427 : i32 to index
        %swap3A_429 = tpu.vector_load %arg13[%swap3A_428] {strides = array<i32>} : memref<26624xf32, #tpu.memory_space<vmem>>, vector<16xf32>,
        tpu.vector_store %arg13[%swap3A_428], %mul3A_425 {strides = array<i32>} : memref<26624xf32, #tpu.memory_space<vmem>>, vector<16xf32>,
        %mul3A_430 = arith.mulf %get3A_194, %gather3A_122 : vector<16xf32>
        %mul3A_431 = arith.mulf %mul3A_430, %get3A_146 : vector<16xf32>
        %add3A_432 = arith.constant 22528 : i32
        %add3A_433 = arith.addi %add3A_432, %add3A_199 : i32
        %swap3A_434 = arith.index_cast %add3A_433 : i32 to index
        %swap3A_435 = tpu.vector_load %arg13[%swap3A_434] {strides = array<i32>} : memref<26624xf32, #tpu.memory_space<vmem>>, vector<16xf32>,
        tpu.vector_store %arg13[%swap3A_434], %mul3A_431 {strides = array<i32>} : memref<26624xf32, #tpu.memory_space<vmem>>, vector<16xf32>,
        %mul3A_436 = arith.mulf %mul3A_430, %get3A_158 : vector<16xf32>
        %add3A_437 = arith.constant 22656 : i32
        %add3A_438 = arith.addi %add3A_437, %add3A_199 : i32
        %swap3A_439 = arith.index_cast %add3A_438 : i32 to index
        %swap3A_440 = tpu.vector_load %arg13[%swap3A_439] {strides = array<i32>} : memref<26624xf32, #tpu.memory_space<vmem>>, vector<16xf32>,
        tpu.vector_store %arg13[%swap3A_439], %mul3A_436 {strides = array<i32>} : memref<26624xf32, #tpu.memory_space<vmem>>, vector<16xf32>,
        %mul3A_441 = arith.mulf %mul3A_430, %get3A_170 : vector<16xf32>
        %add3A_442 = arith.constant 22784 : i32
        %add3A_443 = arith.addi %add3A_442, %add3A_199 : i32
        %swap3A_444 = arith.index_cast %add3A_443 : i32 to index
        %swap3A_445 = tpu.vector_load %arg13[%swap3A_444] {strides = array<i32>} : memref<26624xf32, #tpu.memory_space<vmem>>, vector<16xf32>,
        tpu.vector_store %arg13[%swap3A_444], %mul3A_441 {strides = array<i32>} : memref<26624xf32, #tpu.memory_space<vmem>>, vector<16xf32>,
        %mul3A_446 = arith.mulf %mul3A_430, %get3A_182 : vector<16xf32>
        %add3A_447 = arith.constant 22912 : i32
        %add3A_448 = arith.addi %add3A_447, %add3A_199 : i32
        %swap3A_449 = arith.index_cast %add3A_448 : i32 to index
        %swap3A_450 = tpu.vector_load %arg13[%swap3A_449] {strides = array<i32>} : memref<26624xf32, #tpu.memory_space<vmem>>, vector<16xf32>,
        tpu.vector_store %arg13[%swap3A_449], %mul3A_446 {strides = array<i32>} : memref<26624xf32, #tpu.memory_space<vmem>>, vector<16xf32>,
        %mul3A_451 = arith.mulf %get3A_194, %gather3A_126 : vector<16xf32>
        %mul3A_452 = arith.mulf %mul3A_451, %get3A_146 : vector<16xf32>
        %add3A_453 = arith.constant 24576 : i32
        %add3A_454 = arith.addi %add3A_453, %add3A_199 : i32
        %swap3A_455 = arith.index_cast %add3A_454 : i32 to index
        %swap3A_456 = tpu.vector_load %arg13[%swap3A_455] {strides = array<i32>} : memref<26624xf32, #tpu.memory_space<vmem>>, vector<16xf32>,
        tpu.vector_store %arg13[%swap3A_455], %mul3A_452 {strides = array<i32>} : memref<26624xf32, #tpu.memory_space<vmem>>, vector<16xf32>,
        %mul3A_457 = arith.mulf %mul3A_451, %get3A_158 : vector<16xf32>
        %add3A_458 = arith.constant 24704 : i32
        %add3A_459 = arith.addi %add3A_458, %add3A_199 : i32
        %swap3A_460 = arith.index_cast %add3A_459 : i32 to index
        %swap3A_461 = tpu.vector_load %arg13[%swap3A_460] {strides = array<i32>} : memref<26624xf32, #tpu.memory_space<vmem>>, vector<16xf32>,
        tpu.vector_store %arg13[%swap3A_460], %mul3A_457 {strides = array<i32>} : memref<26624xf32, #tpu.memory_space<vmem>>, vector<16xf32>,
        %mul3A_462 = arith.mulf %mul3A_451, %get3A_170 : vector<16xf32>
        %add3A_463 = arith.constant 24832 : i32
        %add3A_464 = arith.addi %add3A_463, %add3A_199 : i32
        %swap3A_465 = arith.index_cast %add3A_464 : i32 to index
        %swap3A_466 = tpu.vector_load %arg13[%swap3A_465] {strides = array<i32>} : memref<26624xf32, #tpu.memory_space<vmem>>, vector<16xf32>,
        tpu.vector_store %arg13[%swap3A_465], %mul3A_462 {strides = array<i32>} : memref<26624xf32, #tpu.memory_space<vmem>>, vector<16xf32>,
        %mul3A_467 = arith.mulf %mul3A_451, %get3A_182 : vector<16xf32>
        %add3A_468 = arith.constant 24960 : i32
        %add3A_469 = arith.addi %add3A_468, %add3A_199 : i32
        %swap3A_470 = arith.index_cast %add3A_469 : i32 to index
        %swap3A_471 = tpu.vector_load %arg13[%swap3A_470] {strides = array<i32>} : memref<26624xf32, #tpu.memory_space<vmem>>, vector<16xf32>,
        tpu.vector_store %arg13[%swap3A_470], %mul3A_467 {strides = array<i32>} : memref<26624xf32, #tpu.memory_space<vmem>>, vector<16xf32>,
        %scan3A_472 = arith.constant 0 : i32
        scf.yield %scan3A_472 : i32
      }
      %scan3A_79 = arith.constant 32 : i32
      %dma_start3A_80 = tpu.memref_slice %arg6[%mul3A_70] : memref<26214400xf32, #tpu.memory_space<hbm>> -> memref<26624xf32, #tpu.memory_space<hbm>>
      %dma_start3A_81 = tpu.memref_slice %arg6[%mul3A_70] : memref<26214400xf32, #tpu.memory_space<hbm>> -> memref<26624xf32, #tpu.memory_space<hbm>>
      tpu.enqueue_dma source(%arg13 : memref<26624xf32, #tpu.memory_space<vmem>>) target(%dma_start3A_81 : memref<26624xf32, #tpu.memory_space<hbm>>) target_semaphore(%arg15 : memref<!tpu.dma_semaphore, #tpu.memory_space<semaphore_mem>>)
      %gt3A_82 = arith.constant 0 : i32
      %gt3A_83 = arith.cmpi sgt, %scan3A_57, %gt3A_82 : i32
      %convert_element_type3A_84 = arith.extui %gt3A_83 : i1 to i32
      %cond3A_85 = arith.constant 0 : i32
      %cond3A_86 = arith.cmpi ne, %convert_element_type3A_84, %cond3A_85 : i32
      scf.if %cond3A_86 {
        %dma_wait3A_99 = arith.constant 0 : i32
        %dma_wait3A_100 = tpu.memref_slice %arg6[%dma_wait3A_99] : memref<26214400xf32, #tpu.memory_space<hbm>> -> memref<24576xf32, #tpu.memory_space<hbm>>
        %dma_wait3A_101 = arith.constant 0 : i32
        %dma_wait3A_102 = tpu.memref_slice %arg6[%dma_wait3A_101] : memref<26214400xf32, #tpu.memory_space<hbm>> -> memref<24576xf32, #tpu.memory_space<hbm>>
        tpu.wait_dma2 semaphore(%arg16 : memref<!tpu.dma_semaphore, #tpu.memory_space<semaphore_mem>>) src(%arg14 : memref<24576xf32, #tpu.memory_space<vmem>>) dst(%dma_wait3A_102 : memref<24576xf32, #tpu.memory_space<hbm>>)
      } else {
      }
      %scan3A_87 = arith.constant 0 : i32
      %scan3A_88 = arith.constant 0 : i32
      %scan3A_89 = arith.constant 32 : i32
      %scan3A_90 = arith.addi %scan3A_88, %scan3A_89 : i32
      %scan3A_91 = arith.constant 1 : i32
      %scan3A_92 = scf.for %scan3A_99 = %scan3A_88 to %scan3A_90 step %scan3A_91 iter_args(%scan3A_100 = %scan3A_87) -> (i32)  : i32 {
        %shift_right_logical3A_101 = arith.constant 3 : i32
        %shift_right_logical3A_102 = arith.shrui %scan3A_99, %shift_right_logical3A_101 : i32
        %and3A_103 = arith.constant 7 : i32
        %and3A_104 = arith.andi %scan3A_99, %and3A_103 : i32
        %mul3A_105 = arith.constant 128 : i32
        %mul3A_106 = arith.muli %shift_right_logical3A_102, %mul3A_105 : i32
        %mul3A_107 = arith.constant 16 : i32
        %mul3A_108 = arith.muli %and3A_104, %mul3A_107 : i32
        %add3A_109 = arith.addi %mul3A_106, %mul3A_108 : i32
        %mul3A_110 = arith.constant 4 : i32
        %mul3A_111 = arith.muli %scan3A_57, %mul3A_110 : i32
        %mul3A_112 = arith.constant 128 : i32
        %mul3A_113 = arith.muli %mul3A_111, %mul3A_112 : i32
        %add3A_114 = arith.addi %mul3A_113, %add3A_109 : i32
        %get3A = arith.index_cast %add3A_114 : i32 to index
        %get3A_115 = tpu.vector_load %arg11[%get3A] {strides = array<i32>} : memref<8192xi32, #tpu.memory_space<vmem>>, vector<16xi32>,
        %add3A_116 = arith.constant 0 : i32
        %add3A_117 = vector.broadcast %add3A_116 : i32 to vector<16xi32>
        %add3A_118 = arith.addi %get3A_115, %add3A_117 : vector<16xi32>
        %gather3A = tpu.vector_load_idx %arg10[%add3A_118] : memref<256xf32, #tpu.memory_space<vmem>>[vector<16xi32>], vector<16xf32>,
        %add3A_119 = arith.constant 1 : i32
        %add3A_120 = vector.broadcast %add3A_119 : i32 to vector<16xi32>
        %add3A_121 = arith.addi %get3A_115, %add3A_120 : vector<16xi32>
        %gather3A_122 = tpu.vector_load_idx %arg10[%add3A_121] : memref<256xf32, #tpu.memory_space<vmem>>[vector<16xi32>], vector<16xf32>,
        %add3A_123 = arith.constant 2 : i32
        %add3A_124 = vector.broadcast %add3A_123 : i32 to vector<16xi32>
        %add3A_125 = arith.addi %get3A_115, %add3A_124 : vector<16xi32>
        %gather3A_126 = tpu.vector_load_idx %arg10[%add3A_125] : memref<256xf32, #tpu.memory_space<vmem>>[vector<16xi32>], vector<16xf32>,
        %add3A_127 = arith.constant 3 : i32
        %add3A_128 = vector.broadcast %add3A_127 : i32 to vector<16xi32>
        %add3A_129 = arith.addi %get3A_115, %add3A_128 : vector<16xi32>
        %gather3A_130 = tpu.vector_load_idx %arg10[%add3A_129] : memref<256xf32, #tpu.memory_space<vmem>>[vector<16xi32>], vector<16xf32>,
        %add3A_131 = arith.constant 4 : i32
        %add3A_132 = vector.broadcast %add3A_131 : i32 to vector<16xi32>
        %add3A_133 = arith.addi %get3A_115, %add3A_132 : vector<16xi32>
        %gather3A_134 = tpu.vector_load_idx %arg10[%add3A_133] : memref<256xf32, #tpu.memory_space<vmem>>[vector<16xi32>], vector<16xf32>,
        %mul3A_135 = arith.constant 4 : i32
        %mul3A_136 = arith.muli %scan3A_57, %mul3A_135 : i32
        %add3A_137 = arith.addi %mul3A_136, %shift_right_logical3A_102 : i32
        %mul3A_138 = arith.constant 512 : i32
        %mul3A_139 = arith.muli %add3A_137, %mul3A_138 : i32
        %add3A_140 = arith.constant 0 : i32
        %add3A_141 = arith.addi %mul3A_139, %add3A_140 : i32
        %mul3A_142 = arith.constant 16 : i32
        %mul3A_143 = arith.muli %and3A_104, %mul3A_142 : i32
        %add3A_144 = arith.addi %add3A_141, %mul3A_143 : i32
        %get3A_145 = arith.index_cast %add3A_144 : i32 to index
        %get3A_146 = tpu.vector_load %arg7[%get3A_145] {strides = array<i32>} : memref<32768xf32, #tpu.memory_space<vmem>>, vector<16xf32>,
        %mul3A_147 = arith.constant 4 : i32
        %mul3A_148 = arith.muli %scan3A_57, %mul3A_147 : i32
        %add3A_149 = arith.addi %mul3A_148, %shift_right_logical3A_102 : i32
        %mul3A_150 = arith.constant 512 : i32
        %mul3A_151 = arith.muli %add3A_149, %mul3A_150 : i32
        %add3A_152 = arith.constant 128 : i32
        %add3A_153 = arith.addi %mul3A_151, %add3A_152 : i32
        %mul3A_154 = arith.constant 16 : i32
        %mul3A_155 = arith.muli %and3A_104, %mul3A_154 : i32
        %add3A_156 = arith.addi %add3A_153, %mul3A_155 : i32
        %get3A_157 = arith.index_cast %add3A_156 : i32 to index
        %get3A_158 = tpu.vector_load %arg7[%get3A_157] {strides = array<i32>} : memref<32768xf32, #tpu.memory_space<vmem>>, vector<16xf32>,
        %mul3A_159 = arith.constant 4 : i32
        %mul3A_160 = arith.muli %scan3A_57, %mul3A_159 : i32
        %add3A_161 = arith.addi %mul3A_160, %shift_right_logical3A_102 : i32
        %mul3A_162 = arith.constant 512 : i32
        %mul3A_163 = arith.muli %add3A_161, %mul3A_162 : i32
        %add3A_164 = arith.constant 256 : i32
        %add3A_165 = arith.addi %mul3A_163, %add3A_164 : i32
        %mul3A_166 = arith.constant 16 : i32
        %mul3A_167 = arith.muli %and3A_104, %mul3A_166 : i32
        %add3A_168 = arith.addi %add3A_165, %mul3A_167 : i32
        %get3A_169 = arith.index_cast %add3A_168 : i32 to index
        %get3A_170 = tpu.vector_load %arg7[%get3A_169] {strides = array<i32>} : memref<32768xf32, #tpu.memory_space<vmem>>, vector<16xf32>,
        %mul3A_171 = arith.constant 4 : i32
        %mul3A_172 = arith.muli %scan3A_57, %mul3A_171 : i32
        %add3A_173 = arith.addi %mul3A_172, %shift_right_logical3A_102 : i32
        %mul3A_174 = arith.constant 512 : i32
        %mul3A_175 = arith.muli %add3A_173, %mul3A_174 : i32
        %add3A_176 = arith.constant 384 : i32
        %add3A_177 = arith.addi %mul3A_175, %add3A_176 : i32
        %mul3A_178 = arith.constant 16 : i32
        %mul3A_179 = arith.muli %and3A_104, %mul3A_178 : i32
        %add3A_180 = arith.addi %add3A_177, %mul3A_179 : i32
        %get3A_181 = arith.index_cast %add3A_180 : i32 to index
        %get3A_182 = tpu.vector_load %arg7[%get3A_181] {strides = array<i32>} : memref<32768xf32, #tpu.memory_space<vmem>>, vector<16xf32>,
        %add3A_183 = arith.constant 1024 : i32
        %add3A_184 = arith.addi %add3A_183, %add3A_109 : i32
        %get3A_185 = arith.index_cast %add3A_184 : i32 to index
        %get3A_186 = tpu.vector_load %arg12[%get3A_185] {strides = array<i32>} : memref<2560xf32, #tpu.memory_space<vmem>>, vector<16xf32>,
        %add3A_187 = arith.constant 1536 : i32
        %add3A_188 = arith.addi %add3A_187, %add3A_109 : i32
        %get3A_189 = arith.index_cast %add3A_188 : i32 to index
        %get3A_190 = tpu.vector_load %arg12[%get3A_189] {strides = array<i32>} : memref<2560xf32, #tpu.memory_space<vmem>>, vector<16xf32>,
        %add3A_191 = arith.constant 2048 : i32
        %add3A_192 = arith.addi %add3A_191, %add3A_109 : i32
        %get3A_193 = arith.index_cast %add3A_192 : i32 to index
        %get3A_194 = tpu.vector_load %arg12[%get3A_193] {strides = array<i32>} : memref<2560xf32, #tpu.memory_space<vmem>>, vector<16xf32>,
        %mul3A_195 = arith.constant 512 : i32
        %mul3A_196 = arith.muli %shift_right_logical3A_102, %mul3A_195 : i32
        %mul3A_197 = arith.constant 16 : i32
        %mul3A_198 = arith.muli %and3A_104, %mul3A_197 : i32
        %add3A_199 = arith.addi %mul3A_196, %mul3A_198 : i32
        %mul3A_200 = arith.mulf %get3A_186, %gather3A_130 : vector<16xf32>
        %mul3A_201 = arith.mulf %mul3A_200, %get3A_146 : vector<16xf32>
        %add3A_202 = arith.constant 0 : i32
        %add3A_203 = arith.addi %add3A_202, %add3A_199 : i32
        %swap3A = arith.index_cast %add3A_203 : i32 to index
        %swap3A_204 = tpu.vector_load %arg14[%swap3A] {strides = array<i32>} : memref<24576xf32, #tpu.memory_space<vmem>>, vector<16xf32>,
        tpu.vector_store %arg14[%swap3A], %mul3A_201 {strides = array<i32>} : memref<24576xf32, #tpu.memory_space<vmem>>, vector<16xf32>,
        %mul3A_205 = arith.mulf %mul3A_200, %get3A_158 : vector<16xf32>
        %add3A_206 = arith.constant 128 : i32
        %add3A_207 = arith.addi %add3A_206, %add3A_199 : i32
        %swap3A_208 = arith.index_cast %add3A_207 : i32 to index
        %swap3A_209 = tpu.vector_load %arg14[%swap3A_208] {strides = array<i32>} : memref<24576xf32, #tpu.memory_space<vmem>>, vector<16xf32>,
        tpu.vector_store %arg14[%swap3A_208], %mul3A_205 {strides = array<i32>} : memref<24576xf32, #tpu.memory_space<vmem>>, vector<16xf32>,
        %mul3A_210 = arith.mulf %mul3A_200, %get3A_170 : vector<16xf32>
        %add3A_211 = arith.constant 256 : i32
        %add3A_212 = arith.addi %add3A_211, %add3A_199 : i32
        %swap3A_213 = arith.index_cast %add3A_212 : i32 to index
        %swap3A_214 = tpu.vector_load %arg14[%swap3A_213] {strides = array<i32>} : memref<24576xf32, #tpu.memory_space<vmem>>, vector<16xf32>,
        tpu.vector_store %arg14[%swap3A_213], %mul3A_210 {strides = array<i32>} : memref<24576xf32, #tpu.memory_space<vmem>>, vector<16xf32>,
        %mul3A_215 = arith.mulf %mul3A_200, %get3A_182 : vector<16xf32>
        %add3A_216 = arith.constant 384 : i32
        %add3A_217 = arith.addi %add3A_216, %add3A_199 : i32
        %swap3A_218 = arith.index_cast %add3A_217 : i32 to index
        %swap3A_219 = tpu.vector_load %arg14[%swap3A_218] {strides = array<i32>} : memref<24576xf32, #tpu.memory_space<vmem>>, vector<16xf32>,
        tpu.vector_store %arg14[%swap3A_218], %mul3A_215 {strides = array<i32>} : memref<24576xf32, #tpu.memory_space<vmem>>, vector<16xf32>,
        %mul3A_220 = arith.mulf %get3A_186, %gather3A_134 : vector<16xf32>
        %mul3A_221 = arith.mulf %mul3A_220, %get3A_146 : vector<16xf32>
        %add3A_222 = arith.constant 2048 : i32
        %add3A_223 = arith.addi %add3A_222, %add3A_199 : i32
        %swap3A_224 = arith.index_cast %add3A_223 : i32 to index
        %swap3A_225 = tpu.vector_load %arg14[%swap3A_224] {strides = array<i32>} : memref<24576xf32, #tpu.memory_space<vmem>>, vector<16xf32>,
        tpu.vector_store %arg14[%swap3A_224], %mul3A_221 {strides = array<i32>} : memref<24576xf32, #tpu.memory_space<vmem>>, vector<16xf32>,
        %mul3A_226 = arith.mulf %mul3A_220, %get3A_158 : vector<16xf32>
        %add3A_227 = arith.constant 2176 : i32
        %add3A_228 = arith.addi %add3A_227, %add3A_199 : i32
        %swap3A_229 = arith.index_cast %add3A_228 : i32 to index
        %swap3A_230 = tpu.vector_load %arg14[%swap3A_229] {strides = array<i32>} : memref<24576xf32, #tpu.memory_space<vmem>>, vector<16xf32>,
        tpu.vector_store %arg14[%swap3A_229], %mul3A_226 {strides = array<i32>} : memref<24576xf32, #tpu.memory_space<vmem>>, vector<16xf32>,
        %mul3A_231 = arith.mulf %mul3A_220, %get3A_170 : vector<16xf32>
        %add3A_232 = arith.constant 2304 : i32
        %add3A_233 = arith.addi %add3A_232, %add3A_199 : i32
        %swap3A_234 = arith.index_cast %add3A_233 : i32 to index
        %swap3A_235 = tpu.vector_load %arg14[%swap3A_234] {strides = array<i32>} : memref<24576xf32, #tpu.memory_space<vmem>>, vector<16xf32>,
        tpu.vector_store %arg14[%swap3A_234], %mul3A_231 {strides = array<i32>} : memref<24576xf32, #tpu.memory_space<vmem>>, vector<16xf32>,
        %mul3A_236 = arith.mulf %mul3A_220, %get3A_182 : vector<16xf32>
        %add3A_237 = arith.constant 2432 : i32
        %add3A_238 = arith.addi %add3A_237, %add3A_199 : i32
        %swap3A_239 = arith.index_cast %add3A_238 : i32 to index
        %swap3A_240 = tpu.vector_load %arg14[%swap3A_239] {strides = array<i32>} : memref<24576xf32, #tpu.memory_space<vmem>>, vector<16xf32>,
        tpu.vector_store %arg14[%swap3A_239], %mul3A_236 {strides = array<i32>} : memref<24576xf32, #tpu.memory_space<vmem>>, vector<16xf32>,
        %mul3A_241 = arith.mulf %get3A_190, %gather3A : vector<16xf32>
        %mul3A_242 = arith.mulf %mul3A_241, %get3A_146 : vector<16xf32>
        %add3A_243 = arith.constant 4096 : i32
        %add3A_244 = arith.addi %add3A_243, %add3A_199 : i32
        %swap3A_245 = arith.index_cast %add3A_244 : i32 to index
        %swap3A_246 = tpu.vector_load %arg14[%swap3A_245] {strides = array<i32>} : memref<24576xf32, #tpu.memory_space<vmem>>, vector<16xf32>,
        tpu.vector_store %arg14[%swap3A_245], %mul3A_242 {strides = array<i32>} : memref<24576xf32, #tpu.memory_space<vmem>>, vector<16xf32>,
        %mul3A_247 = arith.mulf %mul3A_241, %get3A_158 : vector<16xf32>
        %add3A_248 = arith.constant 4224 : i32
        %add3A_249 = arith.addi %add3A_248, %add3A_199 : i32
        %swap3A_250 = arith.index_cast %add3A_249 : i32 to index
        %swap3A_251 = tpu.vector_load %arg14[%swap3A_250] {strides = array<i32>} : memref<24576xf32, #tpu.memory_space<vmem>>, vector<16xf32>,
        tpu.vector_store %arg14[%swap3A_250], %mul3A_247 {strides = array<i32>} : memref<24576xf32, #tpu.memory_space<vmem>>, vector<16xf32>,
        %mul3A_252 = arith.mulf %mul3A_241, %get3A_170 : vector<16xf32>
        %add3A_253 = arith.constant 4352 : i32
        %add3A_254 = arith.addi %add3A_253, %add3A_199 : i32
        %swap3A_255 = arith.index_cast %add3A_254 : i32 to index
        %swap3A_256 = tpu.vector_load %arg14[%swap3A_255] {strides = array<i32>} : memref<24576xf32, #tpu.memory_space<vmem>>, vector<16xf32>,
        tpu.vector_store %arg14[%swap3A_255], %mul3A_252 {strides = array<i32>} : memref<24576xf32, #tpu.memory_space<vmem>>, vector<16xf32>,
        %mul3A_257 = arith.mulf %mul3A_241, %get3A_182 : vector<16xf32>
        %add3A_258 = arith.constant 4480 : i32
        %add3A_259 = arith.addi %add3A_258, %add3A_199 : i32
        %swap3A_260 = arith.index_cast %add3A_259 : i32 to index
        %swap3A_261 = tpu.vector_load %arg14[%swap3A_260] {strides = array<i32>} : memref<24576xf32, #tpu.memory_space<vmem>>, vector<16xf32>,
        tpu.vector_store %arg14[%swap3A_260], %mul3A_257 {strides = array<i32>} : memref<24576xf32, #tpu.memory_space<vmem>>, vector<16xf32>,
        %mul3A_262 = arith.mulf %get3A_190, %gather3A_122 : vector<16xf32>
        %mul3A_263 = arith.mulf %mul3A_262, %get3A_146 : vector<16xf32>
        %add3A_264 = arith.constant 6144 : i32
        %add3A_265 = arith.addi %add3A_264, %add3A_199 : i32
        %swap3A_266 = arith.index_cast %add3A_265 : i32 to index
        %swap3A_267 = tpu.vector_load %arg14[%swap3A_266] {strides = array<i32>} : memref<24576xf32, #tpu.memory_space<vmem>>, vector<16xf32>,
        tpu.vector_store %arg14[%swap3A_266], %mul3A_263 {strides = array<i32>} : memref<24576xf32, #tpu.memory_space<vmem>>, vector<16xf32>,
        %mul3A_268 = arith.mulf %mul3A_262, %get3A_158 : vector<16xf32>
        %add3A_269 = arith.constant 6272 : i32
        %add3A_270 = arith.addi %add3A_269, %add3A_199 : i32
        %swap3A_271 = arith.index_cast %add3A_270 : i32 to index
        %swap3A_272 = tpu.vector_load %arg14[%swap3A_271] {strides = array<i32>} : memref<24576xf32, #tpu.memory_space<vmem>>, vector<16xf32>,
        tpu.vector_store %arg14[%swap3A_271], %mul3A_268 {strides = array<i32>} : memref<24576xf32, #tpu.memory_space<vmem>>, vector<16xf32>,
        %mul3A_273 = arith.mulf %mul3A_262, %get3A_170 : vector<16xf32>
        %add3A_274 = arith.constant 6400 : i32
        %add3A_275 = arith.addi %add3A_274, %add3A_199 : i32
        %swap3A_276 = arith.index_cast %add3A_275 : i32 to index
        %swap3A_277 = tpu.vector_load %arg14[%swap3A_276] {strides = array<i32>} : memref<24576xf32, #tpu.memory_space<vmem>>, vector<16xf32>,
        tpu.vector_store %arg14[%swap3A_276], %mul3A_273 {strides = array<i32>} : memref<24576xf32, #tpu.memory_space<vmem>>, vector<16xf32>,
        %mul3A_278 = arith.mulf %mul3A_262, %get3A_182 : vector<16xf32>
        %add3A_279 = arith.constant 6528 : i32
        %add3A_280 = arith.addi %add3A_279, %add3A_199 : i32
        %swap3A_281 = arith.index_cast %add3A_280 : i32 to index
        %swap3A_282 = tpu.vector_load %arg14[%swap3A_281] {strides = array<i32>} : memref<24576xf32, #tpu.memory_space<vmem>>, vector<16xf32>,
        tpu.vector_store %arg14[%swap3A_281], %mul3A_278 {strides = array<i32>} : memref<24576xf32, #tpu.memory_space<vmem>>, vector<16xf32>,
        %mul3A_283 = arith.mulf %get3A_190, %gather3A_126 : vector<16xf32>
        %mul3A_284 = arith.mulf %mul3A_283, %get3A_146 : vector<16xf32>
        %add3A_285 = arith.constant 8192 : i32
        %add3A_286 = arith.addi %add3A_285, %add3A_199 : i32
        %swap3A_287 = arith.index_cast %add3A_286 : i32 to index
        %swap3A_288 = tpu.vector_load %arg14[%swap3A_287] {strides = array<i32>} : memref<24576xf32, #tpu.memory_space<vmem>>, vector<16xf32>,
        tpu.vector_store %arg14[%swap3A_287], %mul3A_284 {strides = array<i32>} : memref<24576xf32, #tpu.memory_space<vmem>>, vector<16xf32>,
        %mul3A_289 = arith.mulf %mul3A_283, %get3A_158 : vector<16xf32>
        %add3A_290 = arith.constant 8320 : i32
        %add3A_291 = arith.addi %add3A_290, %add3A_199 : i32
        %swap3A_292 = arith.index_cast %add3A_291 : i32 to index
        %swap3A_293 = tpu.vector_load %arg14[%swap3A_292] {strides = array<i32>} : memref<24576xf32, #tpu.memory_space<vmem>>, vector<16xf32>,
        tpu.vector_store %arg14[%swap3A_292], %mul3A_289 {strides = array<i32>} : memref<24576xf32, #tpu.memory_space<vmem>>, vector<16xf32>,
        %mul3A_294 = arith.mulf %mul3A_283, %get3A_170 : vector<16xf32>
        %add3A_295 = arith.constant 8448 : i32
        %add3A_296 = arith.addi %add3A_295, %add3A_199 : i32
        %swap3A_297 = arith.index_cast %add3A_296 : i32 to index
        %swap3A_298 = tpu.vector_load %arg14[%swap3A_297] {strides = array<i32>} : memref<24576xf32, #tpu.memory_space<vmem>>, vector<16xf32>,
        tpu.vector_store %arg14[%swap3A_297], %mul3A_294 {strides = array<i32>} : memref<24576xf32, #tpu.memory_space<vmem>>, vector<16xf32>,
        %mul3A_299 = arith.mulf %mul3A_283, %get3A_182 : vector<16xf32>
        %add3A_300 = arith.constant 8576 : i32
        %add3A_301 = arith.addi %add3A_300, %add3A_199 : i32
        %swap3A_302 = arith.index_cast %add3A_301 : i32 to index
        %swap3A_303 = tpu.vector_load %arg14[%swap3A_302] {strides = array<i32>} : memref<24576xf32, #tpu.memory_space<vmem>>, vector<16xf32>,
        tpu.vector_store %arg14[%swap3A_302], %mul3A_299 {strides = array<i32>} : memref<24576xf32, #tpu.memory_space<vmem>>, vector<16xf32>,
        %mul3A_304 = arith.mulf %get3A_190, %gather3A_130 : vector<16xf32>
        %mul3A_305 = arith.mulf %mul3A_304, %get3A_146 : vector<16xf32>
        %add3A_306 = arith.constant 10240 : i32
        %add3A_307 = arith.addi %add3A_306, %add3A_199 : i32
        %swap3A_308 = arith.index_cast %add3A_307 : i32 to index
        %swap3A_309 = tpu.vector_load %arg14[%swap3A_308] {strides = array<i32>} : memref<24576xf32, #tpu.memory_space<vmem>>, vector<16xf32>,
        tpu.vector_store %arg14[%swap3A_308], %mul3A_305 {strides = array<i32>} : memref<24576xf32, #tpu.memory_space<vmem>>, vector<16xf32>,
        %mul3A_310 = arith.mulf %mul3A_304, %get3A_158 : vector<16xf32>
        %add3A_311 = arith.constant 10368 : i32
        %add3A_312 = arith.addi %add3A_311, %add3A_199 : i32
        %swap3A_313 = arith.index_cast %add3A_312 : i32 to index
        %swap3A_314 = tpu.vector_load %arg14[%swap3A_313] {strides = array<i32>} : memref<24576xf32, #tpu.memory_space<vmem>>, vector<16xf32>,
        tpu.vector_store %arg14[%swap3A_313], %mul3A_310 {strides = array<i32>} : memref<24576xf32, #tpu.memory_space<vmem>>, vector<16xf32>,
        %mul3A_315 = arith.mulf %mul3A_304, %get3A_170 : vector<16xf32>
        %add3A_316 = arith.constant 10496 : i32
        %add3A_317 = arith.addi %add3A_316, %add3A_199 : i32
        %swap3A_318 = arith.index_cast %add3A_317 : i32 to index
        %swap3A_319 = tpu.vector_load %arg14[%swap3A_318] {strides = array<i32>} : memref<24576xf32, #tpu.memory_space<vmem>>, vector<16xf32>,
        tpu.vector_store %arg14[%swap3A_318], %mul3A_315 {strides = array<i32>} : memref<24576xf32, #tpu.memory_space<vmem>>, vector<16xf32>,
        %mul3A_320 = arith.mulf %mul3A_304, %get3A_182 : vector<16xf32>
        %add3A_321 = arith.constant 10624 : i32
        %add3A_322 = arith.addi %add3A_321, %add3A_199 : i32
        %swap3A_323 = arith.index_cast %add3A_322 : i32 to index
        %swap3A_324 = tpu.vector_load %arg14[%swap3A_323] {strides = array<i32>} : memref<24576xf32, #tpu.memory_space<vmem>>, vector<16xf32>,
        tpu.vector_store %arg14[%swap3A_323], %mul3A_320 {strides = array<i32>} : memref<24576xf32, #tpu.memory_space<vmem>>, vector<16xf32>,
        %mul3A_325 = arith.mulf %get3A_190, %gather3A_134 : vector<16xf32>
        %mul3A_326 = arith.mulf %mul3A_325, %get3A_146 : vector<16xf32>
        %add3A_327 = arith.constant 12288 : i32
        %add3A_328 = arith.addi %add3A_327, %add3A_199 : i32
        %swap3A_329 = arith.index_cast %add3A_328 : i32 to index
        %swap3A_330 = tpu.vector_load %arg14[%swap3A_329] {strides = array<i32>} : memref<24576xf32, #tpu.memory_space<vmem>>, vector<16xf32>,
        tpu.vector_store %arg14[%swap3A_329], %mul3A_326 {strides = array<i32>} : memref<24576xf32, #tpu.memory_space<vmem>>, vector<16xf32>,
        %mul3A_331 = arith.mulf %mul3A_325, %get3A_158 : vector<16xf32>
        %add3A_332 = arith.constant 12416 : i32
        %add3A_333 = arith.addi %add3A_332, %add3A_199 : i32
        %swap3A_334 = arith.index_cast %add3A_333 : i32 to index
        %swap3A_335 = tpu.vector_load %arg14[%swap3A_334] {strides = array<i32>} : memref<24576xf32, #tpu.memory_space<vmem>>, vector<16xf32>,
        tpu.vector_store %arg14[%swap3A_334], %mul3A_331 {strides = array<i32>} : memref<24576xf32, #tpu.memory_space<vmem>>, vector<16xf32>,
        %mul3A_336 = arith.mulf %mul3A_325, %get3A_170 : vector<16xf32>
        %add3A_337 = arith.constant 12544 : i32
        %add3A_338 = arith.addi %add3A_337, %add3A_199 : i32
        %swap3A_339 = arith.index_cast %add3A_338 : i32 to index
        %swap3A_340 = tpu.vector_load %arg14[%swap3A_339] {strides = array<i32>} : memref<24576xf32, #tpu.memory_space<vmem>>, vector<16xf32>,
        tpu.vector_store %arg14[%swap3A_339], %mul3A_336 {strides = array<i32>} : memref<24576xf32, #tpu.memory_space<vmem>>, vector<16xf32>,
        %mul3A_341 = arith.mulf %mul3A_325, %get3A_182 : vector<16xf32>
        %add3A_342 = arith.constant 12672 : i32
        %add3A_343 = arith.addi %add3A_342, %add3A_199 : i32
        %swap3A_344 = arith.index_cast %add3A_343 : i32 to index
        %swap3A_345 = tpu.vector_load %arg14[%swap3A_344] {strides = array<i32>} : memref<24576xf32, #tpu.memory_space<vmem>>, vector<16xf32>,
        tpu.vector_store %arg14[%swap3A_344], %mul3A_341 {strides = array<i32>} : memref<24576xf32, #tpu.memory_space<vmem>>, vector<16xf32>,
        %mul3A_346 = arith.mulf %get3A_194, %gather3A : vector<16xf32>
        %mul3A_347 = arith.mulf %mul3A_346, %get3A_146 : vector<16xf32>
        %add3A_348 = arith.constant 14336 : i32
        %add3A_349 = arith.addi %add3A_348, %add3A_199 : i32
        %swap3A_350 = arith.index_cast %add3A_349 : i32 to index
        %swap3A_351 = tpu.vector_load %arg14[%swap3A_350] {strides = array<i32>} : memref<24576xf32, #tpu.memory_space<vmem>>, vector<16xf32>,
        tpu.vector_store %arg14[%swap3A_350], %mul3A_347 {strides = array<i32>} : memref<24576xf32, #tpu.memory_space<vmem>>, vector<16xf32>,
        %mul3A_352 = arith.mulf %mul3A_346, %get3A_158 : vector<16xf32>
        %add3A_353 = arith.constant 14464 : i32
        %add3A_354 = arith.addi %add3A_353, %add3A_199 : i32
        %swap3A_355 = arith.index_cast %add3A_354 : i32 to index
        %swap3A_356 = tpu.vector_load %arg14[%swap3A_355] {strides = array<i32>} : memref<24576xf32, #tpu.memory_space<vmem>>, vector<16xf32>,
        tpu.vector_store %arg14[%swap3A_355], %mul3A_352 {strides = array<i32>} : memref<24576xf32, #tpu.memory_space<vmem>>, vector<16xf32>,
        %mul3A_357 = arith.mulf %mul3A_346, %get3A_170 : vector<16xf32>
        %add3A_358 = arith.constant 14592 : i32
        %add3A_359 = arith.addi %add3A_358, %add3A_199 : i32
        %swap3A_360 = arith.index_cast %add3A_359 : i32 to index
        %swap3A_361 = tpu.vector_load %arg14[%swap3A_360] {strides = array<i32>} : memref<24576xf32, #tpu.memory_space<vmem>>, vector<16xf32>,
        tpu.vector_store %arg14[%swap3A_360], %mul3A_357 {strides = array<i32>} : memref<24576xf32, #tpu.memory_space<vmem>>, vector<16xf32>,
        %mul3A_362 = arith.mulf %mul3A_346, %get3A_182 : vector<16xf32>
        %add3A_363 = arith.constant 14720 : i32
        %add3A_364 = arith.addi %add3A_363, %add3A_199 : i32
        %swap3A_365 = arith.index_cast %add3A_364 : i32 to index
        %swap3A_366 = tpu.vector_load %arg14[%swap3A_365] {strides = array<i32>} : memref<24576xf32, #tpu.memory_space<vmem>>, vector<16xf32>,
        tpu.vector_store %arg14[%swap3A_365], %mul3A_362 {strides = array<i32>} : memref<24576xf32, #tpu.memory_space<vmem>>, vector<16xf32>,
        %mul3A_367 = arith.mulf %get3A_194, %gather3A_122 : vector<16xf32>
        %mul3A_368 = arith.mulf %mul3A_367, %get3A_146 : vector<16xf32>
        %add3A_369 = arith.constant 16384 : i32
        %add3A_370 = arith.addi %add3A_369, %add3A_199 : i32
        %swap3A_371 = arith.index_cast %add3A_370 : i32 to index
        %swap3A_372 = tpu.vector_load %arg14[%swap3A_371] {strides = array<i32>} : memref<24576xf32, #tpu.memory_space<vmem>>, vector<16xf32>,
        tpu.vector_store %arg14[%swap3A_371], %mul3A_368 {strides = array<i32>} : memref<24576xf32, #tpu.memory_space<vmem>>, vector<16xf32>,
        %mul3A_373 = arith.mulf %mul3A_367, %get3A_158 : vector<16xf32>
        %add3A_374 = arith.constant 16512 : i32
        %add3A_375 = arith.addi %add3A_374, %add3A_199 : i32
        %swap3A_376 = arith.index_cast %add3A_375 : i32 to index
        %swap3A_377 = tpu.vector_load %arg14[%swap3A_376] {strides = array<i32>} : memref<24576xf32, #tpu.memory_space<vmem>>, vector<16xf32>,
        tpu.vector_store %arg14[%swap3A_376], %mul3A_373 {strides = array<i32>} : memref<24576xf32, #tpu.memory_space<vmem>>, vector<16xf32>,
        %mul3A_378 = arith.mulf %mul3A_367, %get3A_170 : vector<16xf32>
        %add3A_379 = arith.constant 16640 : i32
        %add3A_380 = arith.addi %add3A_379, %add3A_199 : i32
        %swap3A_381 = arith.index_cast %add3A_380 : i32 to index
        %swap3A_382 = tpu.vector_load %arg14[%swap3A_381] {strides = array<i32>} : memref<24576xf32, #tpu.memory_space<vmem>>, vector<16xf32>,
        tpu.vector_store %arg14[%swap3A_381], %mul3A_378 {strides = array<i32>} : memref<24576xf32, #tpu.memory_space<vmem>>, vector<16xf32>,
        %mul3A_383 = arith.mulf %mul3A_367, %get3A_182 : vector<16xf32>
        %add3A_384 = arith.constant 16768 : i32
        %add3A_385 = arith.addi %add3A_384, %add3A_199 : i32
        %swap3A_386 = arith.index_cast %add3A_385 : i32 to index
        %swap3A_387 = tpu.vector_load %arg14[%swap3A_386] {strides = array<i32>} : memref<24576xf32, #tpu.memory_space<vmem>>, vector<16xf32>,
        tpu.vector_store %arg14[%swap3A_386], %mul3A_383 {strides = array<i32>} : memref<24576xf32, #tpu.memory_space<vmem>>, vector<16xf32>,
        %mul3A_388 = arith.mulf %get3A_194, %gather3A_126 : vector<16xf32>
        %mul3A_389 = arith.mulf %mul3A_388, %get3A_146 : vector<16xf32>
        %add3A_390 = arith.constant 18432 : i32
        %add3A_391 = arith.addi %add3A_390, %add3A_199 : i32
        %swap3A_392 = arith.index_cast %add3A_391 : i32 to index
        %swap3A_393 = tpu.vector_load %arg14[%swap3A_392] {strides = array<i32>} : memref<24576xf32, #tpu.memory_space<vmem>>, vector<16xf32>,
        tpu.vector_store %arg14[%swap3A_392], %mul3A_389 {strides = array<i32>} : memref<24576xf32, #tpu.memory_space<vmem>>, vector<16xf32>,
        %mul3A_394 = arith.mulf %mul3A_388, %get3A_158 : vector<16xf32>
        %add3A_395 = arith.constant 18560 : i32
        %add3A_396 = arith.addi %add3A_395, %add3A_199 : i32
        %swap3A_397 = arith.index_cast %add3A_396 : i32 to index
        %swap3A_398 = tpu.vector_load %arg14[%swap3A_397] {strides = array<i32>} : memref<24576xf32, #tpu.memory_space<vmem>>, vector<16xf32>,
        tpu.vector_store %arg14[%swap3A_397], %mul3A_394 {strides = array<i32>} : memref<24576xf32, #tpu.memory_space<vmem>>, vector<16xf32>,
        %mul3A_399 = arith.mulf %mul3A_388, %get3A_170 : vector<16xf32>
        %add3A_400 = arith.constant 18688 : i32
        %add3A_401 = arith.addi %add3A_400, %add3A_199 : i32
        %swap3A_402 = arith.index_cast %add3A_401 : i32 to index
        %swap3A_403 = tpu.vector_load %arg14[%swap3A_402] {strides = array<i32>} : memref<24576xf32, #tpu.memory_space<vmem>>, vector<16xf32>,
        tpu.vector_store %arg14[%swap3A_402], %mul3A_399 {strides = array<i32>} : memref<24576xf32, #tpu.memory_space<vmem>>, vector<16xf32>,
        %mul3A_404 = arith.mulf %mul3A_388, %get3A_182 : vector<16xf32>
        %add3A_405 = arith.constant 18816 : i32
        %add3A_406 = arith.addi %add3A_405, %add3A_199 : i32
        %swap3A_407 = arith.index_cast %add3A_406 : i32 to index
        %swap3A_408 = tpu.vector_load %arg14[%swap3A_407] {strides = array<i32>} : memref<24576xf32, #tpu.memory_space<vmem>>, vector<16xf32>,
        tpu.vector_store %arg14[%swap3A_407], %mul3A_404 {strides = array<i32>} : memref<24576xf32, #tpu.memory_space<vmem>>, vector<16xf32>,
        %mul3A_409 = arith.mulf %get3A_194, %gather3A_130 : vector<16xf32>
        %mul3A_410 = arith.mulf %mul3A_409, %get3A_146 : vector<16xf32>
        %add3A_411 = arith.constant 20480 : i32
        %add3A_412 = arith.addi %add3A_411, %add3A_199 : i32
        %swap3A_413 = arith.index_cast %add3A_412 : i32 to index
        %swap3A_414 = tpu.vector_load %arg14[%swap3A_413] {strides = array<i32>} : memref<24576xf32, #tpu.memory_space<vmem>>, vector<16xf32>,
        tpu.vector_store %arg14[%swap3A_413], %mul3A_410 {strides = array<i32>} : memref<24576xf32, #tpu.memory_space<vmem>>, vector<16xf32>,
        %mul3A_415 = arith.mulf %mul3A_409, %get3A_158 : vector<16xf32>
        %add3A_416 = arith.constant 20608 : i32
        %add3A_417 = arith.addi %add3A_416, %add3A_199 : i32
        %swap3A_418 = arith.index_cast %add3A_417 : i32 to index
        %swap3A_419 = tpu.vector_load %arg14[%swap3A_418] {strides = array<i32>} : memref<24576xf32, #tpu.memory_space<vmem>>, vector<16xf32>,
        tpu.vector_store %arg14[%swap3A_418], %mul3A_415 {strides = array<i32>} : memref<24576xf32, #tpu.memory_space<vmem>>, vector<16xf32>,
        %mul3A_420 = arith.mulf %mul3A_409, %get3A_170 : vector<16xf32>
        %add3A_421 = arith.constant 20736 : i32
        %add3A_422 = arith.addi %add3A_421, %add3A_199 : i32
        %swap3A_423 = arith.index_cast %add3A_422 : i32 to index
        %swap3A_424 = tpu.vector_load %arg14[%swap3A_423] {strides = array<i32>} : memref<24576xf32, #tpu.memory_space<vmem>>, vector<16xf32>,
        tpu.vector_store %arg14[%swap3A_423], %mul3A_420 {strides = array<i32>} : memref<24576xf32, #tpu.memory_space<vmem>>, vector<16xf32>,
        %mul3A_425 = arith.mulf %mul3A_409, %get3A_182 : vector<16xf32>
        %add3A_426 = arith.constant 20864 : i32
        %add3A_427 = arith.addi %add3A_426, %add3A_199 : i32
        %swap3A_428 = arith.index_cast %add3A_427 : i32 to index
        %swap3A_429 = tpu.vector_load %arg14[%swap3A_428] {strides = array<i32>} : memref<24576xf32, #tpu.memory_space<vmem>>, vector<16xf32>,
        tpu.vector_store %arg14[%swap3A_428], %mul3A_425 {strides = array<i32>} : memref<24576xf32, #tpu.memory_space<vmem>>, vector<16xf32>,
        %mul3A_430 = arith.mulf %get3A_194, %gather3A_134 : vector<16xf32>
        %mul3A_431 = arith.mulf %mul3A_430, %get3A_146 : vector<16xf32>
        %add3A_432 = arith.constant 22528 : i32
        %add3A_433 = arith.addi %add3A_432, %add3A_199 : i32
        %swap3A_434 = arith.index_cast %add3A_433 : i32 to index
        %swap3A_435 = tpu.vector_load %arg14[%swap3A_434] {strides = array<i32>} : memref<24576xf32, #tpu.memory_space<vmem>>, vector<16xf32>,
        tpu.vector_store %arg14[%swap3A_434], %mul3A_431 {strides = array<i32>} : memref<24576xf32, #tpu.memory_space<vmem>>, vector<16xf32>,
        %mul3A_436 = arith.mulf %mul3A_430, %get3A_158 : vector<16xf32>
        %add3A_437 = arith.constant 22656 : i32
        %add3A_438 = arith.addi %add3A_437, %add3A_199 : i32
        %swap3A_439 = arith.index_cast %add3A_438 : i32 to index
        %swap3A_440 = tpu.vector_load %arg14[%swap3A_439] {strides = array<i32>} : memref<24576xf32, #tpu.memory_space<vmem>>, vector<16xf32>,
        tpu.vector_store %arg14[%swap3A_439], %mul3A_436 {strides = array<i32>} : memref<24576xf32, #tpu.memory_space<vmem>>, vector<16xf32>,
        %mul3A_441 = arith.mulf %mul3A_430, %get3A_170 : vector<16xf32>
        %add3A_442 = arith.constant 22784 : i32
        %add3A_443 = arith.addi %add3A_442, %add3A_199 : i32
        %swap3A_444 = arith.index_cast %add3A_443 : i32 to index
        %swap3A_445 = tpu.vector_load %arg14[%swap3A_444] {strides = array<i32>} : memref<24576xf32, #tpu.memory_space<vmem>>, vector<16xf32>,
        tpu.vector_store %arg14[%swap3A_444], %mul3A_441 {strides = array<i32>} : memref<24576xf32, #tpu.memory_space<vmem>>, vector<16xf32>,
        %mul3A_446 = arith.mulf %mul3A_430, %get3A_182 : vector<16xf32>
        %add3A_447 = arith.constant 22912 : i32
        %add3A_448 = arith.addi %add3A_447, %add3A_199 : i32
        %swap3A_449 = arith.index_cast %add3A_448 : i32 to index
        %swap3A_450 = tpu.vector_load %arg14[%swap3A_449] {strides = array<i32>} : memref<24576xf32, #tpu.memory_space<vmem>>, vector<16xf32>,
        tpu.vector_store %arg14[%swap3A_449], %mul3A_446 {strides = array<i32>} : memref<24576xf32, #tpu.memory_space<vmem>>, vector<16xf32>,
        %scan3A_451 = arith.constant 0 : i32
        scf.yield %scan3A_451 : i32
      }
      %scan3A_93 = arith.constant 32 : i32
      %add3A_94 = arith.constant 26624 : i32
      %add3A_95 = arith.addi %mul3A_70, %add3A_94 : i32
      %dma_start3A_96 = tpu.memref_slice %arg6[%add3A_95] : memref<26214400xf32, #tpu.memory_space<hbm>> -> memref<24576xf32, #tpu.memory_space<hbm>>
      %dma_start3A_97 = tpu.memref_slice %arg6[%add3A_95] : memref<26214400xf32, #tpu.memory_space<hbm>> -> memref<24576xf32, #tpu.memory_space<hbm>>
      tpu.enqueue_dma source(%arg14 : memref<24576xf32, #tpu.memory_space<vmem>>) target(%dma_start3A_97 : memref<24576xf32, #tpu.memory_space<hbm>>) target_semaphore(%arg16 : memref<!tpu.dma_semaphore, #tpu.memory_space<semaphore_mem>>)
      %scan3A_98 = arith.constant 0 : i32
      scf.yield %scan3A_98 : i32
    }
    %scan3A_48 = arith.constant 16 : i32
    %dma_wait3A_49 = arith.constant 0 : i32
    %dma_wait3A_50 = tpu.memref_slice %arg6[%dma_wait3A_49] : memref<26214400xf32, #tpu.memory_space<hbm>> -> memref<26624xf32, #tpu.memory_space<hbm>>
    %dma_wait3A_51 = arith.constant 0 : i32
    %dma_wait3A_52 = tpu.memref_slice %arg6[%dma_wait3A_51] : memref<26214400xf32, #tpu.memory_space<hbm>> -> memref<26624xf32, #tpu.memory_space<hbm>>
    tpu.wait_dma2 semaphore(%arg15 : memref<!tpu.dma_semaphore, #tpu.memory_space<semaphore_mem>>) src(%arg13 : memref<26624xf32, #tpu.memory_space<vmem>>) dst(%dma_wait3A_52 : memref<26624xf32, #tpu.memory_space<hbm>>)
    %dma_wait3A_53 = arith.constant 0 : i32
    %dma_wait3A_54 = tpu.memref_slice %arg6[%dma_wait3A_53] : memref<26214400xf32, #tpu.memory_space<hbm>> -> memref<24576xf32, #tpu.memory_space<hbm>>
    %dma_wait3A_55 = arith.constant 0 : i32
    %dma_wait3A_56 = tpu.memref_slice %arg6[%dma_wait3A_55] : memref<26214400xf32, #tpu.memory_space<hbm>> -> memref<24576xf32, #tpu.memory_space<hbm>>
    tpu.wait_dma2 semaphore(%arg16 : memref<!tpu.dma_semaphore, #tpu.memory_space<semaphore_mem>>) src(%arg14 : memref<24576xf32, #tpu.memory_space<vmem>>) dst(%dma_wait3A_56 : memref<24576xf32, #tpu.memory_space<hbm>>)
    return
  }
}

</mosaic_0001>

<sc_bundles>
// kernel: kernel.3.cloned.1.call-start
scs
__scs_entry_jumppad:
0x0: {  	(pc) =	sbr.rel $0x88, $3  }
0x1: {  	(tag) =	ssettag $0x0;
	lr =	simm.s32 $0x1  }
0x2: {  	[smem:$0x3F9D] =	sst lr;
	_ =	strace $0xD0000000  }
0x3: {  	_ = 	snop  }
0x4: {  	_ = 	snop  }
0x5: {  	_ = 	snop  }
0x6: {  	_ = 	snop  }
0x7: {  	_ = 	snop  }
__scs_overlays_trampoline_lowered:
0x8: {  	[smem:$0x3FAC] =	sst s0  }
0x9: {  	[smem:$0x3FAD] =	sst s1  }
0xa: {  	[smem:$0x3FAE] =	sst s2  }
0xb: {  	[smem:$0x3FAF] =	sst s3  }
0xc: {  	[smem:$0x3FB0] =	sst s4  }
0xd: {  	[smem:$0x3FB1] =	sst s5  }
0xe: {  	[smem:$0x3FB2] =	sst s6  }
0xf: {  	[smem:$0x3FB3] =	sst s7  }
0x10: {  	[smem:$0x3FB4] =	sst s8  }
0x11: {  	[smem:$0x3FB5] =	sst s9;
	s0 =	simm.s32 @!p0 $0x0  }
0x12: {  	s1 =	sld [smem:$0x3F9B];
	s0 =	simm.s32 @p0 $0x1  }
0x13: {  	[smem:$0x3FB6] =	sst s0;
	s0 =	simm.s32 @!p1 $0x0  }
0x14: {  	s2 =	sld [smem:$0x3F9A];
	s0 =	simm.s32 @p1 $0x1  }
0x15: {  	[smem:$0x3FB7] =	sst s0;
	s0 =	simm.s32 @!p2 $0x0  }
0x16: {  	s3 =	sld [smem:$0x3FDB];
	s0 =	simm.s32 @p2 $0x1  }
0x17: {  	s4 =	simm.s32 $0x1BF5;
	[smem:$0x3FB9] =	sst s0  }
0x18: {  	s0 =	sld [smem:$0x3F9C];
	_ =	swait.ge [sflag:s4], $0x0  }
0x19: {  	s7 =	sld [smem:$0x3F9D]  }
0x1a: {  	s8 =	sadd.s32 $0xFFFFE003, lr  }
0x1b: {  	s9 =	sadd.s32 $0xFFFFFEF7, lr;
	s5 =	simm.s32 $0xFFFFFFFF;
	p2 =	slt.u32 s8, $0xFFFFF086  }
0x1c: {  	p1 =	slt.u32 s9, $0xF7A;
	s5 =	simm.s32 @!p2 $0x0  }
0x1d: {  	s5 =	simm.s32 @p1 $0x1;
	p0 =	seq.s32 s7, s2  }
0x1e: {  	s7 =	smul.u32 @!p0 $0xF7A, s2;
	p2 =	seq.s32 @!p0 s5, $0x0  }
0x1f: {  	s9 =	smul.u32 $0xF7A, s1;
	s8 =	simm.s32 @!p0 $0x1BF5;
	p2 =	por !p2, p0  }
0x20: {  	[sflag:s8] =	ssyncset.s32 @!p0 $0xFFFFF086;
	s6 =	sadd.s32 @!p0 s3, s7;
	s7 =	simm.s32 @!p0 $0x108  }
0x21: {  	s3 =	sadd.s32 s3, s9;
	s6 =	sadd.s32 @!p0 $0x88, s6;
	s7 =	simm.s32 @p2 $0x1082  }
0x22: {  	[simem:s7], [sflag:s8] =	dma.local @!p0 [hbm:s6], $0xF7A  }
0x23: {  	s9 =	sor.u32 $0xD0000000, s2;
	s6 =	simm.s32 $0x108;
	_ =	swait.ge @!p0 [sflag:s8], $0x0  }
0x24: {  	s3 =	sadd.s32 $0x88, s3;
	s6 =	simm.s32 @!p1 $0x1082;
	[sflag:s4] =	ssyncset.s32 $0xFFFFF086  }
0x25: {  	[simem:s6], [sflag:s4] =	dma.local [hbm:s3], $0xF7A  }
0x26: {  	[smem:$0x3F9D] =	sst s1;
	(tag) =	ssettag s2;
	_ =	strace s9  }
0x27: {  	s1 =	sld [smem:$0x3FAD]  }
0x28: {  	s2 =	sld [smem:$0x3FAE]  }
0x29: {  	s4 =	sld [smem:$0x3FB0]  }
0x2a: {  	p0 =	seq.s32 s5, $0x0;
	s5 =	sld [smem:$0x3FB1]  }
0x2b: {  	s6 =	sld [smem:$0x3FB2]  }
0x2c: {  	s7 =	sld [smem:$0x3FB3]  }
0x2d: {  	s3 =	simm.s32 $0x108;
	s8 =	sld [smem:$0x3FB4]  }
0x2e: {  	s3 =	simm.s32 @!p0 $0x1082;
	s9 =	sld [smem:$0x3FB5]  }
0x2f: {  	lr =	sadd.s32 s0, s3;
	s0 =	sld [smem:$0x3FAC]  }
0x30: {  	s3 =	sld [smem:$0x3FAF]  }
0x31: {  	[smem:$0x3FB8] =	sst s10  }
0x32: {  	s10 =	sld [smem:$0x3FB6];
	_ =	sdelay $0x3  }
0x33: {  	p0 =	seq.s32 s10, $0x1;
	s10 =	sld [smem:$0x3FB8];
	_ =	sdelay $0x3  }
0x34: {  	[smem:$0x3FB8] =	sst s10  }
0x35: {  	s10 =	sld [smem:$0x3FB7];
	_ =	sdelay $0x3  }
0x36: {  	p1 =	seq.s32 s10, $0x1;
	s10 =	sld [smem:$0x3FB8];
	_ =	sdelay $0x3  }
0x37: {  	[smem:$0x3FB8] =	sst s10  }
0x38: {  	s10 =	sld [smem:$0x3FB9]  }
0x39: {  	_ = 	snop;
	(pc) =	sbr.ind lr, $3  }
0x3a: {  	_ = 	snop  }
0x3b: {  	_ = 	snop  }
0x3c: {  	p2 =	seq.s32 s10, $0x1;
	s10 =	sld [smem:$0x3FB8]  }
0x3d: {  	_ =	shalt  }
0x3e: {  	_ =	shalt  }
0x3f: {  	_ =	shalt  }
0x40: {  	_ =	shalt  }
0x41: {  	_ =	shalt  }
0x42: {  	_ =	shalt  }
0x43: {  	_ =	shalt  }
0x44: {  	_ =	shalt  }
0x45: {  	_ =	shalt  }
0x46: {  	_ =	shalt  }
0x47: {  	_ =	shalt  }
0x48: {  	_ =	shalt  }
0x49: {  	_ =	shalt  }
0x4a: {  	_ =	shalt  }
0x4b: {  	_ =	shalt  }
0x4c: {  	_ =	shalt  }
0x4d: {  	_ =	shalt  }
0x4e: {  	_ =	shalt  }
0x4f: {  	_ =	shalt  }
0x50: {  	_ =	shalt  }
0x51: {  	_ =	shalt  }
0x52: {  	_ =	shalt  }
0x53: {  	_ =	shalt  }
0x54: {  	_ =	shalt  }
0x55: {  	_ =	shalt  }
0x56: {  	_ =	shalt  }
0x57: {  	_ =	shalt  }
0x58: {  	_ =	shalt  }
0x59: {  	_ =	shalt  }
0x5a: {  	_ =	shalt  }
0x5b: {  	_ =	shalt  }
0x5c: {  	_ =	shalt  }
0x5d: {  	_ =	shalt  }
0x5e: {  	_ =	shalt  }
0x5f: {  	_ =	shalt  }
0x60: {  	_ =	shalt  }
0x61: {  	_ =	shalt  }
0x62: {  	_ =	shalt  }
0x63: {  	_ =	shalt  }
0x64: {  	_ =	shalt  }
0x65: {  	_ =	shalt  }
0x66: {  	_ =	shalt  }
0x67: {  	_ =	shalt  }
0x68: {  	_ =	shalt  }
0x69: {  	_ =	shalt  }
0x6a: {  	_ =	shalt  }
0x6b: {  	_ =	shalt  }
0x6c: {  	_ =	shalt  }
0x6d: {  	_ =	shalt  }
0x6e: {  	_ =	shalt  }
0x6f: {  	_ =	shalt  }
0x70: {  	_ =	shalt  }
0x71: {  	_ =	shalt  }
0x72: {  	_ =	shalt  }
0x73: {  	_ =	shalt  }
0x74: {  	_ =	shalt  }
0x75: {  	_ =	shalt  }
0x76: {  	_ =	shalt  }
0x77: {  	_ =	shalt  }
0x78: {  	_ =	shalt  }
0x79: {  	_ =	shalt  }
0x7a: {  	_ =	shalt  }
0x7b: {  	_ =	shalt  }
0x7c: {  	_ =	shalt  }
0x7d: {  	_ =	shalt  }
0x7e: {  	_ =	shalt  }
0x7f: {  	_ =	shalt  }
0x80: {  	_ =	shalt  }
0x81: {  	_ =	shalt  }
0x82: {  	_ =	shalt  }
0x83: {  	_ =	shalt  }
0x84: {  	_ =	shalt  }
0x85: {  	_ =	shalt  }
0x86: {  	_ =	shalt  }
0x87: {  	_ =	shalt  }
.Lfunc_end0:
.L_simem_size_0:
called_computation_lowered:
.L_overlay_start_0:
0x88: {  	s2 =	sld [smem:$0x3FD9]  }
0x89: {  	s3 =	sld [smem:$0x3FFE];
	_ =	sdelay $0x1  }
0x8a: {  	s1 =	srdreg.scid  }
0x8b: {  	s0 =	sand.u32 $0x1, s1  }
0x8c: {  	s17 =	sshll.u32 s0, $0xA;
	s2 =	sadd.s32 s3, s2  }
0x8d: {  	s2 =	sadd.s32 s2, s17  }
0x8e: {  	[smem:$0x3FC4] =	sst s2  }
0x8f: {  	_ = 	snop  }
0x90: {  	s2 =	sld [smem:$0x3FC9]  }
0x91: {  	s18 =	sld [smem:$0x3FC7]  }
0x92: {  	s4 =	sld [smem:$0x3FD0];
	(tm) =	ssettm $0x1  }
0x93: {  	s5 =	sld [smem:$0x3FFB];
	_ =	sdelay $0x3  }
0x94: {  	_ =	strace s5  }
0x95: {  	s5 =	sld [smem:$0x3FFC];
	_ =	sdelay $0x3  }
0x96: {  	_ =	strace s5  }
0x97: {  	s5 =	sld [smem:$0x3FFD];
	_ =	sdelay $0x3  }
0x98: {  	_ =	strace s5  }
0x99: {  	_ =	strace $0x8FFFFFFF  }
0x9a: {  	s19 =	sld [smem:$0x3FDB];
	_ =	sdelay $0x1  }
0x9b: {  	s6 =	simm.s32 $_scs_section_size  }
0x9c: {  	s7 =	simm.s32 $_size__tile_overlayer_lowered;
	s8 =	simm.s32 $_tile_overlayer_lowered  }
0x9d: {  	s22 =	simm.s32 $0x1BFF;
	s21 =	sshll.u32 s8, $0x1;
	s5 =	sadd.s32 s6, s19  }
0x9e: {  	s9 =	simm.s32 $0x0;
	s20 =	sshll.u32 s7, $0x1;
	s7 =	sadd.s32 s21, s5  }
0x9f: {  	[timem:s9], [sflag:s22] =	dma.local [hbm:s7], s20  }
0xa0: {  	_ =	swait.ge [sflag:s22], s20  }
0xa1: {  	s6 =	ssub.s32 $0x0, s20;
	[sflag:s22] =	ssyncset.done $0x0  }
0xa2: {  	[sflag:s22] =	ssyncadd.s32 s6;
	_ =	sdelay $0x1  }
0xa3: {  	s23 =	simm.s32 $0x1B8B  }
0xa4: {  	_ =	swait.ge [sflag:s23], $0x1  }
0xa5: {  	[sflag:s23] =	ssyncset.done $0x0  }
0xa6: {  	s25 =	simm.s32 $0x1B8E;
	s24 =	sld [smem:$0x3FFE];
	[sflag:s23] =	ssyncadd.s32 $0xFFFFFFFF  }
0xa7: {  	s26 =	simm.s32 $execute0_lowered;
	[smem:$0x3FD2] =	sst s25  }
0xa8: {  	s7 =	sshll.u32 s26, $0x1;
	_ =	strace $0x80000046;
	[dreg:$0x1] =	wrdreg $0xFFFFFFFF  }
0xa9: {  	s28 =	simm.s32 $_size_execute0_lowered;
	s5 =	sadd.s32 s5, s7;
	[dreg:$0x0] =	wrdreg $0x0  }
0xaa: {  	s7 =	sshll.u32 s28, $0x1;
	[dreg:$0x2] =	wrdreg s5  }
0xab: {  	[dreg:$0x3] =	wrdreg s7  }
0xac: {  	[dreg:$0x4] =	wrdreg $0xC0  }
0xad: {  	_ =	task [dreg:s9], $0x5FFFF  }
0xae: {  	[dreg:$0x1] =	wrdreg $0xFFFFFFFF  }
0xaf: {  	[dreg:$0x0] =	wrdreg $0x60  }
0xb0: {  	[dreg:$0x2] =	wrdreg s2  }
0xb1: {  	[dreg:$0x3] =	wrdreg s18  }
0xb2: {  	[dreg:$0x4] =	wrdreg s24  }
0xb3: {  	[dreg:$0x5] =	wrdreg s4  }
0xb4: {  	[dreg:$0x6] =	wrdreg $0x9  }
0xb5: {  	_ =	task.clear_ibuf [dreg:s9], $0x7FFFF;
	_ =	strace $0x90000046  }
0xb6: {  	s29 =	simm.s32 $0x9;
	_ =	strace $0x80000048  }
0xb7: {  	_ =	swait.ge [sflag:s29], $0x1  }
0xb8: {  	[sflag:s29] =	ssyncadd.s32 $0xFFFFFFFF  }
0xb9: {  	_ =	strace $0x90000048  }
0xba: {  	_ =	sfence  }
0xbb: {  	s30 =	sld [smem:$0x0];
	_ =	sdelay $0x2  }
0xbc: {  	s31 =	sshll.u32 s1, $0xD;
	s1 =	sshrl.u32 s1, $0x2  }
0xbd: {  	s3 =	sand.u32 $0x4000, s31;
	s1 =	sadd.s32 s1, s30  }
0xbe: {  	s0 =	sor.u32 s3, s0;
	s1 =	sshll.u32 s1, $0x11  }
0xbf: {  	s0 =	sor.u32 s1, s0  }
0xc0: {  	s0 =	sadd.s32 $0x8F2B, s0  }
0xc1: {  	[sflag:s0] =	ssyncadd.remote.s32 $0x1  }
0xc2: {  	_ =	sfence.sel $0xFFFF  }
0xc3: {  	[dreg:$0x0] =	wrdreg $0xFFFFFFFF;
	(pc) =	sbr.abs _section_cstart, $3  }
0xc4: {  	[dreg:$0x1] =	wrdreg $0xFFFFFFFF  }
0xc5: {  	_ =	task.clear_ibuf [dreg:s9], $0x2FFFF;
	_ =	strace $0x9FFFFFFF  }
0xc6: {  	(tm) =	ssettm $0x7FFFFFFF  }
0xc7: {  	_ =	shalt  }
tec
execute0_lowered:
.L_overlay_start_1:
0x0: {  	(tag) =	ssettag $0x1  }
0x1: {  	s6 =	rddreg [dreg:$0x0]  }
0x2: {  	s7 =	rddreg [dreg:$0x1]  }
0x3: {  	s4 =	rddreg [dreg:$0x2]  }
0x4: {  	s1 =	rddreg [dreg:$0x3]  }
0x5: {  	s0 =	rddreg [dreg:$0x4];
	s3 =	simm.s32 $0x0  }
0x6: {  	s2 =	stileid.u32;
	s8 =	srdreg.scid;
	s14 =	simm.s32 $0x1  }
0x7: {  	s15 =	simm.s32 $0xCD00;
	s16 =	simm.s32 $0x13500;
	s17 =	simm.s32 $0x2  }
0x8: {  	s18 =	simm.s32 $0x0;
	[smem:$0x7FF] =	sst s3;
	s5 =	sshll.u32 s2, $0x5  }
0x9: {  	s9 =	sshll.u32 s2, $0x1;
	s8 =	sand.u32 $0x1, s8;
	s11 =	sshrl.u32 s2, $0x1  }
0xa: {  	_ =	strace $0x80000047;
	s5 =	sand.u32 $0x1C0, s5;
	s9 =	sand.u32 $0x2, s9  }
0xb: {  	s12 =	sshll.u32 s11, $0x6;
	s11 =	sshll.u32 s11, $0xC;
	s10 =	sadd.s32 s5, s4  }
0xc: {  	s9 =	sor.u32 s8, s9;
	s8 =	ssub.s32 $0x2, s8;
	s4 =	sadd.s32 $0x600, s4  }
0xd: {  	s7 =	sadd.s32 s7, s11;
	s11 =	simm.s32 $0x3;
	s28 =	sshll.u32 s9, $0x4  }
0xe: {  	s13 =	sshrl.u32 s8, $0x1;
	s31 =	sshll.u32 s9, $0xA;
	s5 =	sor.u32 s12, s28  }
0xf: {  	s29 =	ssub.s32 s8, s13;
	s7 =	sadd.s32 s31, s7;
	s8 =	sadd.s32 $0x400, s10  }
0x10: {  	s10 =	simm.s32 $0x8000;
	s12 =	simm.s32 $0xA000;
	s30 =	sshll.u32 s5, $0x8  }
0x11: {  	s13 =	simm.s32 $0xA200;
	s9 =	smax.u32 s29, $0x1;
	s6 =	sadd.s32 s6, s30  }
.LBB2_1:
0x12: {  	[tilespmem:s3], [sflag:$0x1] =	stream.linear.gather [hbm4b:s6+s3], $0x8000, $0x38;
	[tilespmem:$0x19500] =	vst v63  }
0x13: {  	_ = 	snop  }
0x14: {  	[tilespmem:s10], [sflag:$0x3] =	stream.linear.gather [hbm4b:s7+s3], $0x2000, $0x38;
	[tilespmem:$0x19500] =	vst v63  }
0x15: {  	_ =	swait.ge [sflag:s11], $0x2000  }
0x16: {  	[sflag:s11] =	ssyncset.done $0x0  }
0x17: {  	[sflag:s11] =	ssyncadd.s32 $0xFFFFE000  }
0x18: {  	[tilespmem:s12], [sflag:$0x3] =	stream.linear.gather [hbm4b:s8+s3], $0x200, $0x38;
	[tilespmem:$0x19500] =	vst v63  }
0x19: {  	s19 =	simm.s32 $0x0;
	s20 =	simm.s32 $0x0;
	_ =	swait.ge [sflag:s11], $0x200  }
0x1a: {  	s21 =	sand.u32 $0x3, s19;
	s30 =	sand.u32 $0x4, s20;
	[sflag:s11] =	ssyncset.done $0x0  }
0x1b: {  	s31 =	simm.s32 $0x0;
	s19 =	sor.u32 s21, s30;
	[sflag:s11] =	ssyncadd.s32 $0xFFFFFE00  }
0x1c: {  	[tilespmem:s13], [sflag:$0x3] =	stream.linear.gather [hbm4b:s4+s3], $0x100, $0x38;
	[tilespmem:$0x19500] =	vst v63  }
0x1d: {  	s20 =	sand.u32 $0x380, s31;
	s22 =	sshll.u32 s19, $0xA;
	_ =	swait.ge [sflag:s11], $0x100  }
0x1e: {  	s19 =	sand.u32 $0x70, s3;
	s20 =	sor.u32 s20, s22;
	[sflag:s11] =	ssyncset.done $0x0  }
0x1f: {  	s20 =	sor.u32 s19, s20;
	[sflag:s11] =	ssyncadd.s32 $0xFFFFFF00  }
0x20: {  	v0 =	vld [tilespmem:s20+$0x8000];
	_ =	sdelay $0x4  }
0x21: {  	v1 =	vadd.s32 $0xFFFFFFFF, v0  }
0x22: {  	vm0 =	vgt.s32 v1, $0x0  }
0x23: {  	v1 =	vnsel vm0, $0x0, v1;
	_ =	sdelay $0x4  }
0x24: {  	v1 =	vld.idx.msk [tilespmem:v1+s12+$0x0], $0xffff  }
0x25: {  	s24 =	simm.s32 $0x4  }
0x26: {  	s25 =	simm.s32 $0x0;
	s26 =	simm.s32 $0x0;
	s28 =	simm.s32 $0x0  }
0x27: {  	s23 =	simm.s32 $0x2;
	s22 =	simm.s32 $0x10;
	s20 =	simm.s32 $0x1  }
.LBB2_2:
0x28: {  	p0 =	sne.s32 s23, $0x1FF;
	s26 =	sand.u32 $0x3, s26;
	s28 =	sand.u32 $0x4, s28  }
0x29: {  	v1 =	vmul.u32 $0x5, v1;
	s25 =	sand.u32 $0x3FFFFE00, s25;
	s21 =	sshll.u32 s21, $0x7;
	s28 =	sor.u32 s26, s28  }
0x2a: {  	s24 =	sand.u32 $0x380, s24;
	vm0 =	veq.s32 v0, $0x0;
	s21 =	sor.u32 s21, s25;
	s28 =	sshll.u32 s28, $0xA  }
0x2b: {  	v0 =	vsel vm0, $0x0, v1;
	s21 =	sor.u32 s19, s21;
	s19 =	sand.u32 $0x70, s22;
	s24 =	sor.u32 s24, s28  }
0x2c: {  	s25 =	smov.u32 s20;
	s24 =	sor.u32 s19, s24;
	[tilespmem:s21+$0xA300] =	vst v0;
	s21 =	smov.u32 s26  }
0x2d: {  	s20 =	smov.u32 s23;
	v0 =	vld [tilespmem:s24+$0x8000];
	_ =	sdelay $0x4  }
0x2e: {  	v1 =	vadd.s32 $0xFFFFFFFF, v0  }
0x2f: {  	vm0 =	vgt.s32 v1, $0x0  }
0x30: {  	v1 =	vnsel vm0, $0x0, v1;
	_ =	sdelay $0x4  }
.Ltmp0:
0x31: {  	v1 =	vld.idx.msk [tilespmem:v1+s12+$0x0], $0xffff;
	(pc) =	sbr.rel @p0 .LBB2_2-.Ltmp0, $3  }
0x32: {  	_ =	sdelay $0x1  }
0x33: {  	s25 =	sshll.u32 s25, $0x4;
	s22 =	sadd.s32 $0x10, s22;
	s24 =	sshll.u32 s23, $0x2  }
0x34: {  	s28 =	sshrl.u32 s20, $0x6;
	s26 =	sshrl.u32 s20, $0x3;
	s23 =	sadd.s32 $0x1, s23  }
0x35: {  	s23 =	sand.u32 $0x3, s26;
	s30 =	sand.u32 $0x4, s28  }
0x36: {  	v1 =	vmul.u32 $0x5, v1;
	s25 =	sand.u32 $0x3FFFFE00, s25;
	s21 =	sshll.u32 s21, $0x7;
	s26 =	sor.u32 s23, s30  }
0x37: {  	s24 =	sand.u32 $0x380, s24;
	vm0 =	veq.s32 v0, $0x0;
	s21 =	sor.u32 s21, s25;
	s26 =	sshll.u32 s26, $0xA  }
0x38: {  	s22 =	sand.u32 $0x70, s22;
	v0 =	vsel vm0, $0x0, v1;
	s19 =	sor.u32 s19, s21;
	s24 =	sor.u32 s24, s26  }
0x39: {  	[tilespmem:s19+$0xA300] =	vst v0;
	s31 =	sor.u32 s22, s24  }
0x3a: {  	v0 =	vld [tilespmem:s31+$0x8000];
	_ =	sdelay $0x4  }
0x3b: {  	v1 =	vadd.s32 $0xFFFFFFFF, v0  }
0x3c: {  	vm14 =	vgt.s32 v1, $0x0  }
0x3d: {  	v1 =	vnsel vm14, $0x0, v1;
	_ =	sdelay $0x4  }
0x3e: {  	v1 =	vld.idx.msk [tilespmem:v1+s12+$0x0], $0xffff;
	_ =	sdelay $0x3  }
0x3f: {  	s21 =	sshll.u32 s20, $0x4  }
0x40: {  	s19 =	sand.u32 $0x3FFFFE00, s21;
	s24 =	sshll.u32 s23, $0x7;
	v1 =	vmul.u32 $0x5, v1  }
0x41: {  	s25 =	simm.s32 $0x0;
	s26 =	simm.s32 $0x0;
	s19 =	sor.u32 s24, s19;
	vm15 =	veq.s32 v0, $0x0  }
0x42: {  	s20 =	sand.u32 $0x70, s25;
	s28 =	sand.u32 $0xFFFFFF80, s26;
	s19 =	sor.u32 s22, s19;
	v0 =	vsel vm15, $0x0, v1  }
0x43: {  	s29 =	sor.u32 s20, s28;
	[tilespmem:s19+$0xA300] =	vst v0  }
0x44: {  	v0 =	vld [tilespmem:s29+$0xA000];
	_ =	sdelay $0x4  }
0x45: {  	v0 =	vmul.u32 $0x5, v0;
	_ =	sdelay $0x5  }
0x46: {  	v1 =	vld.idx.msk [tilespmem:v0+s13+$0x0], $0xffff  }
0x47: {  	v2 =	vadd.s32 $0x1, v0;
	_ =	sdelay $0x3  }
0x48: {  	[tilespmem:s29+$0xC300] =	vst v1  }
0x49: {  	v1 =	vld.idx.msk [tilespmem:v2+s13+$0x0], $0xffff  }
0x4a: {  	v2 =	vadd.s32 $0x2, v0;
	_ =	sdelay $0x1  }
0x4b: {  	s30 =	sand.u32 $0x3FFFFF80, s26  }
0x4c: {  	s21 =	sor.u32 s20, s30  }
0x4d: {  	[tilespmem:s21+$0xC500] =	vst v1  }
0x4e: {  	v1 =	vld.idx.msk [tilespmem:v2+s13+$0x0], $0xffff  }
0x4f: {  	v2 =	vadd.s32 $0x3, v0;
	_ =	sdelay $0x3  }
0x50: {  	[tilespmem:s21+$0xC700] =	vst v1  }
0x51: {  	v1 =	vld.idx.msk [tilespmem:v2+s13+$0x0], $0xffff  }
0x52: {  	v0 =	vadd.s32 $0x4, v0;
	_ =	sdelay $0x3  }
0x53: {  	[tilespmem:s21+$0xC900] =	vst v1  }
0x54: {  	v0 =	vld.idx.msk [tilespmem:v0+s13+$0x0], $0xffff  }
0x55: {  	s20 =	simm.s32 $0x10  }
0x56: {  	s31 =	simm.s32 $0x10;
	s22 =	sand.u32 $0x70, s20  }
0x57: {  	s24 =	sand.u32 $0xFFFFFF80, s31;
	s23 =	sand.u32 $0x3FFFFF80, s31;
	s19 =	simm.s32 $0x2  }
.LBB2_4:
0x58: {  	p0 =	sne.s32 s19, $0x1F  }
0x59: {  	s24 =	sor.u32 s22, s24;
	[tilespmem:s21+$0xCB00] =	vst v0;
	s25 =	smov.u32 s19;
	s19 =	sadd.s32 $0x1, s19  }
0x5a: {  	v0 =	vld [tilespmem:s24+$0xA000];
	_ =	sdelay $0x4  }
0x5b: {  	v0 =	vmul.u32 $0x5, v0;
	_ =	sdelay $0x5  }
0x5c: {  	v1 =	vld.idx.msk [tilespmem:v0+s13+$0x0], $0xffff;
	_ =	sdelay $0x1  }
0x5d: {  	v2 =	vadd.s32 $0x1, v0;
	_ =	sdelay $0x3  }
0x5e: {  	[tilespmem:s24+$0xC300] =	vst v1  }
0x5f: {  	v1 =	vld.idx.msk [tilespmem:v2+s13+$0x0], $0xffff;
	_ =	sdelay $0x1  }
0x60: {  	v2 =	vadd.s32 $0x2, v0;
	_ =	sdelay $0x2  }
0x61: {  	s21 =	sor.u32 s22, s23  }
0x62: {  	[tilespmem:s21+$0xC500] =	vst v1  }
0x63: {  	v1 =	vld.idx.msk [tilespmem:v2+s13+$0x0], $0xffff;
	_ =	sdelay $0x1  }
0x64: {  	v2 =	vadd.s32 $0x3, v0;
	_ =	sdelay $0x3  }
0x65: {  	[tilespmem:s21+$0xC700] =	vst v1  }
0x66: {  	v1 =	vld.idx.msk [tilespmem:v2+s13+$0x0], $0xffff;
	_ =	sdelay $0x1  }
0x67: {  	v0 =	vadd.s32 $0x4, v0;
	_ =	sdelay $0x3  }
0x68: {  	[tilespmem:s21+$0xC900] =	vst v1  }
0x69: {  	v0 =	vld.idx.msk [tilespmem:v0+s13+$0x0], $0xffff  }
.Ltmp1:
0x6a: {  	(pc) =	sbr.rel @p0 .LBB2_4-.Ltmp1, $3  }
0x6b: {  	_ =	sdelay $0x1  }
0x6c: {  	s20 =	sadd.s32 $0x10, s20;
	s23 =	sshll.u32 s25, $0x4  }
0x6d: {  	s22 =	sand.u32 $0x70, s20;
	s24 =	sand.u32 $0xFFFFFF80, s23;
	s23 =	sand.u32 $0x3FFFFF80, s23  }
0x6e: {  	s19 =	sor.u32 s22, s24;
	[tilespmem:s21+$0xCB00] =	vst v0  }
0x6f: {  	v0 =	vld [tilespmem:s19+$0xA000];
	_ =	sdelay $0x4  }
0x70: {  	v0 =	vmul.u32 $0x5, v0;
	_ =	sdelay $0x5  }
0x71: {  	v1 =	vld.idx.msk [tilespmem:v0+s13+$0x0], $0xffff  }
0x72: {  	v2 =	vadd.s32 $0x1, v0;
	_ =	sdelay $0x3  }
0x73: {  	[tilespmem:s19+$0xC300] =	vst v1  }
0x74: {  	v1 =	vld.idx.msk [tilespmem:v2+s13+$0x0], $0xffff  }
0x75: {  	v62 =	vadd.s32 $0x2, v0;
	_ =	sdelay $0x2  }
0x76: {  	s31 =	sor.u32 s22, s23  }
0x77: {  	[tilespmem:s31+$0xC500] =	vst v1  }
0x78: {  	v1 =	vld.idx.msk [tilespmem:v62+s13+$0x0], $0xffff  }
0x79: {  	v63 =	vadd.s32 $0x3, v0;
	_ =	sdelay $0x3  }
0x7a: {  	[tilespmem:s31+$0xC700] =	vst v1  }
0x7b: {  	v1 =	vld.idx.msk [tilespmem:v63+s13+$0x0], $0xffff  }
0x7c: {  	v0 =	vadd.s32 $0x4, v0;
	_ =	sdelay $0x3  }
0x7d: {  	[tilespmem:s31+$0xC900] =	vst v1  }
0x7e: {  	v0 =	vld.idx.msk [tilespmem:v0+s13+$0x0], $0xffff;
	_ =	sdelay $0x4  }
0x7f: {  	[tilespmem:s31+$0xCB00] =	vst v0  }
0x80: {  	_ =	swait.ge [sflag:s14], $0x8000  }
0x81: {  	[sflag:s14] =	ssyncset.done $0x0  }
0x82: {  	s19 =	simm.s32 $0x0;
	[sflag:s14] =	ssyncadd.s32 $0xFFFF8000  }
.LBB2_6:
0x83: {  	p0 =	seq.s32 s19, $0x0  }
0x84: {  	s22 =	sor.u32 s5, s19;
	s21 =	simm.s32 @!p0 $0x1  }
0x85: {  	s20 =	sshll.u32 s19, $0xB;
	s23 =	simm.s32 $0x0;
	_ =	swait.ge @!p0 [sflag:s21], $0x6800  }
0x86: {  	s24 =	simm.s32 $0x0;
	s31 =	sshrl.u32 s20, $0x2;
	[sflag:s21] =	ssyncset.done @!p0 $0x0  }
0x87: {  	s22 =	smul.u32 $0xC800, s22;
	[sflag:s21] =	ssyncadd.s32 @!p0 $0xFFFF9800;
	s21 =	sadd.s32 $0xA300, s31  }
.LBB2_7:
0x88: {  	s25 =	sshrl.u32 s24, $0x3  }
0x89: {  	s26 =	sshll.u32 s25, $0x7  }
0x8a: {  	s28 =	sand.u32 $0x70, s23;
	s29 =	sadd.s32 s26, s21  }
0x8b: {  	s29 =	sadd.s32 s28, s29  }
0x8c: {  	v0 =	vld [tilespmem:s29+$0x0];
	_ =	sdelay $0x3  }
0x8d: {  	s25 =	sshll.u32 s25, $0x9  }
0x8e: {  	s30 =	sshrl.u32 s25, $0x2;
	s26 =	sor.u32 s28, s26  }
0x8f: {  	v11 =	vld [tilespmem:s26+$0xC500];
	s29 =	sor.u32 s28, s30  }
0x90: {  	v5 =	vld [tilespmem:s29+$0xC300]  }
0x91: {  	s31 =	sadd.s32 s25, s20;
	v4 =	vld.idx.msk [tilespmem:v0+s13+$0x0], $0xffff  }
0x92: {  	v13 =	vld [tilespmem:s26+$0xC700];
	s29 =	sadd.s32 s28, s31;
	v1 =	vadd.s32 $0x1, v0  }
0x93: {  	v6 =	vld [tilespmem:s29+$0x0];
	v2 =	vadd.s32 $0x2, v0  }
0x94: {  	v7 =	vld [tilespmem:s29+$0x80];
	v3 =	vadd.s32 $0x3, v0  }
0x95: {  	v8 =	vld [tilespmem:s29+$0x100];
	v0 =	vadd.s32 $0x4, v0  }
0x96: {  	v9 =	vld [tilespmem:s29+$0x180];
	v10 =	vmul.f32 v5, v4  }
0x97: {  	v1 =	vld.idx.msk [tilespmem:v1+s13+$0x0], $0xffff  }
0x98: {  	v2 =	vld.idx.msk [tilespmem:v2+s13+$0x0], $0xffff;
	v12 =	vmul.f32 v10, v6  }
0x99: {  	s25 =	sor.u32 s28, s25;
	v3 =	vld.idx.msk [tilespmem:v3+s13+$0x0], $0xffff;
	v14 =	vmul.f32 v10, v7  }
0x9a: {  	v0 =	vld.idx.msk [tilespmem:v0+s13+$0x0], $0xffff;
	v31 =	vmul.f32 v11, v4;
	v59 =	vmul.f32 v10, v8;
	[tilespmem:s25+$0xCD00] =	vst v12  }
0x9b: {  	v10 =	vmul.f32 v10, v9;
	[tilespmem:s25+$0xCD80] =	vst v14  }
0x9c: {  	v32 =	vmul.f32 v31, v6;
	[tilespmem:s25+$0xCE00] =	vst v59  }
0x9d: {  	v33 =	vmul.f32 v31, v7;
	[tilespmem:s25+$0xCE80] =	vst v10  }
0x9e: {  	v4 =	vmul.f32 v13, v4;
	v34 =	vmul.f32 v31, v8;
	[tilespmem:s25+$0xF500] =	vst v32  }
0x9f: {  	v36 =	vmul.f32 v31, v9;
	[tilespmem:s25+$0xF580] =	vst v33  }
0xa0: {  	v52 =	vmul.f32 v4, v6;
	[tilespmem:s25+$0xF600] =	vst v34  }
0xa1: {  	v53 =	vmul.f32 v4, v7;
	[tilespmem:s25+$0xF680] =	vst v36  }
0xa2: {  	v15 =	vmul.f32 v5, v1;
	v54 =	vmul.f32 v4, v8;
	[tilespmem:s25+$0x11D00] =	vst v52  }
0xa3: {  	v55 =	vmul.f32 v4, v9;
	[tilespmem:s25+$0x11D80] =	vst v53  }
0xa4: {  	v60 =	vmul.f32 v15, v6;
	[tilespmem:s25+$0x11E00] =	vst v54  }
0xa5: {  	v61 =	vmul.f32 v15, v7;
	[tilespmem:s25+$0x11E80] =	vst v55  }
0xa6: {  	v63 =	vmul.f32 v5, v2;
	v62 =	vmul.f32 v15, v8;
	[tilespmem:s25+$0xD500] =	vst v60  }
0xa7: {  	v18 =	vmul.f32 v15, v9;
	[tilespmem:s25+$0xD580] =	vst v61  }
0xa8: {  	v19 =	vmul.f32 v63, v6;
	[tilespmem:s25+$0xD600] =	vst v62  }
0xa9: {  	v20 =	vmul.f32 v63, v7;
	[tilespmem:s25+$0xD680] =	vst v18  }
0xaa: {  	v22 =	vmul.f32 v5, v3;
	v21 =	vmul.f32 v63, v8;
	[tilespmem:s25+$0xDD00] =	vst v19  }
0xab: {  	v23 =	vmul.f32 v63, v9;
	[tilespmem:s25+$0xDD80] =	vst v20  }
0xac: {  	v24 =	vmul.f32 v22, v6;
	[tilespmem:s25+$0xDE00] =	vst v21  }
0xad: {  	v25 =	vmul.f32 v22, v7;
	[tilespmem:s25+$0xDE80] =	vst v23  }
0xae: {  	v35 =	vmul.f32 v11, v1;
	v26 =	vmul.f32 v22, v8;
	[tilespmem:s25+$0xE500] =	vst v24  }
0xaf: {  	v27 =	vmul.f32 v22, v9;
	[tilespmem:s25+$0xE580] =	vst v25  }
0xb0: {  	v37 =	vmul.f32 v35, v6;
	[tilespmem:s25+$0xE600] =	vst v26  }
0xb1: {  	v38 =	vmul.f32 v35, v7;
	[tilespmem:s25+$0xE680] =	vst v27  }
0xb2: {  	v40 =	vmul.f32 v11, v2;
	v39 =	vmul.f32 v35, v8;
	[tilespmem:s25+$0xFD00] =	vst v37  }
0xb3: {  	v41 =	vmul.f32 v35, v9;
	[tilespmem:s25+$0xFD80] =	vst v38  }
0xb4: {  	v42 =	vmul.f32 v40, v6;
	[tilespmem:s25+$0xFE00] =	vst v39  }
0xb5: {  	v43 =	vmul.f32 v40, v7;
	[tilespmem:s25+$0xFE80] =	vst v41  }
0xb6: {  	v3 =	vmul.f32 v11, v3;
	v44 =	vmul.f32 v40, v8;
	[tilespmem:s25+$0x10500] =	vst v42  }
0xb7: {  	v45 =	vmul.f32 v40, v9;
	[tilespmem:s25+$0x10580] =	vst v43  }
0xb8: {  	v46 =	vmul.f32 v3, v6;
	[tilespmem:s25+$0x10600] =	vst v44  }
0xb9: {  	v47 =	vmul.f32 v3, v7;
	[tilespmem:s25+$0x10680] =	vst v45  }
0xba: {  	v1 =	vmul.f32 v13, v1;
	v48 =	vmul.f32 v3, v8;
	[tilespmem:s25+$0x10D00] =	vst v46  }
0xbb: {  	v3 =	vmul.f32 v3, v9;
	[tilespmem:s25+$0x10D80] =	vst v47  }
0xbc: {  	v56 =	vmul.f32 v1, v6;
	[tilespmem:s25+$0x10E00] =	vst v48  }
0xbd: {  	v57 =	vmul.f32 v1, v7;
	[tilespmem:s25+$0x10E80] =	vst v3  }
0xbe: {  	v2 =	vmul.f32 v13, v2;
	v58 =	vmul.f32 v1, v8;
	[tilespmem:s25+$0x12500] =	vst v56  }
0xbf: {  	v59 =	vmul.f32 v1, v9;
	[tilespmem:s25+$0x12580] =	vst v57  }
0xc0: {  	v63 =	vmul.f32 v2, v9;
	[tilespmem:s25+$0x12600] =	vst v58  }
0xc1: {  	v60 =	vmul.f32 v2, v6;
	[tilespmem:s25+$0x12680] =	vst v59  }
0xc2: {  	v5 =	vmul.f32 v5, v0;
	v61 =	vmul.f32 v2, v7;
	[tilespmem:s25+$0x12E80] =	vst v63  }
0xc3: {  	v62 =	vmul.f32 v2, v8;
	[tilespmem:s25+$0x12D00] =	vst v60  }
0xc4: {  	v28 =	vmul.f32 v5, v6;
	[tilespmem:s25+$0x12D80] =	vst v61  }
0xc5: {  	v29 =	vmul.f32 v5, v7;
	[tilespmem:s25+$0x12E00] =	vst v62  }
0xc6: {  	v0 =	vmul.f32 v11, v0;
	v30 =	vmul.f32 v5, v8;
	[tilespmem:s25+$0xED00] =	vst v28  }
0xc7: {  	v5 =	vmul.f32 v5, v9;
	[tilespmem:s25+$0xED80] =	vst v29  }
0xc8: {  	p1 =	sne.s32 s24, $0x1F;
	v49 =	vmul.f32 v0, v6;
	[tilespmem:s25+$0xEE00] =	vst v30  }
.Ltmp2:
0xc9: {  	v50 =	vmul.f32 v0, v7;
	[tilespmem:s25+$0xEE80] =	vst v5;
	(pc) =	sbr.rel @p1 .LBB2_7-.Ltmp2, $4  }
0xca: {  	v51 =	vmul.f32 v0, v8;
	[tilespmem:s25+$0x11500] =	vst v49  }
0xcb: {  	v0 =	vmul.f32 v0, v9;
	[tilespmem:s25+$0x11580] =	vst v50  }
0xcc: {  	[tilespmem:s25+$0x11600] =	vst v51  }
0xcd: {  	s23 =	sadd.s32 $0x10, s23;
	s24 =	sadd.s32 $0x1, s24;
	[tilespmem:s25+$0x11680] =	vst v0  }
0xce: {  	s22 =	sshrl.u32 s22, $0x3  }
0xcf: {  	s23 =	simm.s32 @!p0 $0x2;
	s22 =	sadd.s32 s1, s22  }
0xd0: {  	[hbm4b:s22+s3] =	stream.linear.scatter [tilespmem:s15], [sflag:$0x1], $0x6800, $0x38;
	[tilespmem:$0x19500] =	vst v63  }
0xd1: {  	s24 =	simm.s32 $0x0;
	_ =	swait.ge @!p0 [sflag:s23], $0x6000  }
0xd2: {  	s26 =	sadd.s32 $0x0, s21;
	s25 =	sand.u32 $0x70, s24;
	[sflag:s23] =	ssyncset.done @!p0 $0x0  }
0xd3: {  	s26 =	sadd.s32 s25, s26;
	[sflag:s23] =	ssyncadd.s32 @!p0 $0xFFFFA000  }
0xd4: {  	v6 =	vld [tilespmem:s26+$0x0];
	_ =	sdelay $0x3  }
0xd5: {  	s29 =	sadd.s32 $0x0, s20  }
0xd6: {  	s23 =	sadd.s32 s25, s29;
	v1 =	vadd.s32 $0x3, v6  }
0xd7: {  	s30 =	simm.s32 $0x0;
	v0 =	vld [tilespmem:s23+$0x180];
	v2 =	vadd.s32 $0x4, v6  }
0xd8: {  	s26 =	sor.u32 s25, s30;
	v3 =	vld [tilespmem:s23+$0x80]  }
0xd9: {  	v4 =	vld [tilespmem:s26+$0xCB00]  }
0xda: {  	v9 =	vld [tilespmem:s26+$0xC700]  }
0xdb: {  	v5 =	vld.idx.msk [tilespmem:v1+s13+$0x0], $0xffff  }
0xdc: {  	v7 =	vld.idx.msk [tilespmem:v2+s13+$0x0], $0xffff  }
0xdd: {  	v11 =	vadd.s32 $0x1, v6;
	v1 =	vld [tilespmem:s23+$0x100]  }
0xde: {  	v15 =	vadd.s32 $0x2, v6;
	v2 =	vld [tilespmem:s23+$0x0];
	_ =	sdelay $0x1  }
0xdf: {  	v16 =	vmul.f32 v9, v5;
	v12 =	vmul.f32 v4, v5  }
0xe0: {  	s31 =	simm.s32 $0x0;
	v8 =	vld [tilespmem:s26+$0xC900];
	v10 =	vmul.f32 v9, v7;
	v14 =	vmul.f32 v4, v7  }
0xe1: {  	v13 =	vld.idx.msk [tilespmem:v11+s13+$0x0], $0xffff;
	s23 =	sor.u32 s25, s31;
	v11 =	vmul.f32 v16, v3;
	v17 =	vmul.f32 v16, v1  }
0xe2: {  	s28 =	sadd.s32 $0x13500, s23;
	v9 =	vld.idx.msk [tilespmem:v15+s13+$0x0], $0xffff;
	v15 =	vmul.f32 v16, v2;
	v18 =	vmul.f32 v16, v0  }
0xe3: {  	v6 =	vld.idx.msk [tilespmem:v6+s13+$0x0], $0xffff;
	s25 =	simm.s32 $0x1;
	v16 =	vmul.f32 v10, v2;
	[tilespmem:s28+$0x80] =	vst v11;
	v11 =	vmul.f32 v10, v3  }
.LBB2_9:
0xe4: {  	p0 =	sne.s32 s25, $0x1F  }
0xe5: {  	[tilespmem:s28+$0x100] =	vst v17;
	v17 =	vmul.f32 v10, v0;
	v19 =	vmul.f32 v12, v2;
	s24 =	sadd.s32 $0x10, s24;
	s26 =	smov.u32 s25;
	s25 =	sadd.s32 $0x1, s25  }
0xe6: {  	v20 =	vmul.f32 v14, v0;
	[tilespmem:s28+$0x180] =	vst v18;
	v18 =	vmul.f32 v12, v3  }
0xe7: {  	v21 =	vmul.f32 v14, v1;
	[tilespmem:s23+$0x13500] =	vst v15;
	v15 =	vmul.f32 v12, v1  }
0xe8: {  	[tilespmem:s23+$0x13D00] =	vst v16;
	v16 =	vmul.f32 v8, v13;
	v13 =	vmul.f32 v4, v13  }
0xe9: {  	v23 =	vmul.f32 v14, v3;
	v22 =	vmul.f32 v8, v9;
	[tilespmem:s23+$0x18E80] =	vst v20  }
0xea: {  	v14 =	vmul.f32 v14, v2;
	v20 =	vmul.f32 v13, v0;
	[tilespmem:s23+$0x18E00] =	vst v21  }
0xeb: {  	v12 =	vmul.f32 v12, v0;
	v21 =	vmul.f32 v13, v1;
	[tilespmem:s23+$0x18D80] =	vst v23  }
0xec: {  	v24 =	vmul.f32 v13, v3;
	v23 =	vmul.f32 v22, v3;
	[tilespmem:s23+$0x18D00] =	vst v14  }
0xed: {  	v9 =	vmul.f32 v4, v9;
	v14 =	vmul.f32 v16, v3;
	[tilespmem:s23+$0x18680] =	vst v12  }
0xee: {  	v10 =	vmul.f32 v10, v1;
	v12 =	vmul.f32 v22, v1;
	[tilespmem:s23+$0x18600] =	vst v15  }
0xef: {  	v25 =	vmul.f32 v9, v3;
	v15 =	vmul.f32 v9, v2;
	[tilespmem:s23+$0x18580] =	vst v18  }
0xf0: {  	v26 =	vmul.f32 v9, v1;
	v18 =	vmul.f32 v22, v2;
	[tilespmem:s23+$0x18500] =	vst v19  }
0xf1: {  	v19 =	vmul.f32 v22, v0;
	[tilespmem:s23+$0x13E80] =	vst v17;
	v17 =	vmul.f32 v16, v2  }
0xf2: {  	v13 =	vmul.f32 v13, v2;
	v22 =	vmul.f32 v16, v0;
	[tilespmem:s23+$0x17680] =	vst v20  }
0xf3: {  	v9 =	vmul.f32 v9, v0;
	[tilespmem:s23+$0x13D80] =	vst v11;
	v11 =	vmul.f32 v16, v1  }
0xf4: {  	v4 =	vmul.f32 v4, v6;
	[tilespmem:s23+$0x13E00] =	vst v10;
	v10 =	vmul.f32 v8, v6  }
0xf5: {  	v5 =	vmul.f32 v8, v5;
	v6 =	vmul.f32 v8, v7;
	[tilespmem:s23+$0x17580] =	vst v24  }
0xf6: {  	v7 =	vmul.f32 v10, v3;
	v8 =	vmul.f32 v10, v1;
	[tilespmem:s23+$0x17600] =	vst v21  }
0xf7: {  	v16 =	vmul.f32 v10, v2;
	[tilespmem:s23+$0x14D80] =	vst v14;
	v14 =	vmul.f32 v6, v0  }
0xf8: {  	v20 =	vmul.f32 v6, v3;
	v21 =	vmul.f32 v4, v2;
	[tilespmem:s23+$0x15580] =	vst v23  }
0xf9: {  	v23 =	vmul.f32 v4, v1;
	[tilespmem:s23+$0x14D00] =	vst v17;
	v17 =	vmul.f32 v5, v0  }
0xfa: {  	v10 =	vmul.f32 v10, v0;
	[tilespmem:s23+$0x14E00] =	vst v11;
	v11 =	vmul.f32 v5, v2  }
0xfb: {  	[tilespmem:s23+$0x15500] =	vst v18;
	v18 =	vmul.f32 v5, v3;
	v5 =	vmul.f32 v5, v1  }
0xfc: {  	v0 =	vmul.f32 v4, v0;
	v2 =	vmul.f32 v6, v2;
	[tilespmem:s23+$0x16680] =	vst v14  }
0xfd: {  	v1 =	vmul.f32 v6, v1;
	v3 =	vmul.f32 v4, v3;
	[tilespmem:s23+$0x14600] =	vst v8  }
0xfe: {  	[tilespmem:s23+$0x15600] =	vst v12  }
0xff: {  	[tilespmem:s23+$0x16580] =	vst v20  }
0x100: {  	[tilespmem:s23+$0x15E80] =	vst v17  }
0x101: {  	[tilespmem:s23+$0x14580] =	vst v7  }
0x102: {  	[tilespmem:s23+$0x14E80] =	vst v22  }
0x103: {  	[tilespmem:s23+$0x17D00] =	vst v15  }
0x104: {  	[tilespmem:s23+$0x15D00] =	vst v11  }
0x105: {  	[tilespmem:s23+$0x17500] =	vst v13  }
0x106: {  	[tilespmem:s23+$0x17D80] =	vst v25  }
0x107: {  	[tilespmem:s23+$0x15E00] =	vst v5  }
0x108: {  	[tilespmem:s23+$0x17E00] =	vst v26  }
0x109: {  	[tilespmem:s23+$0x16500] =	vst v2  }
0x10a: {  	[tilespmem:s23+$0x16D80] =	vst v3  }
0x10b: {  	[tilespmem:s23+$0x16D00] =	vst v21  }
0x10c: {  	[tilespmem:s23+$0x15680] =	vst v19  }
0x10d: {  	[tilespmem:s23+$0x15D80] =	vst v18  }
0x10e: {  	[tilespmem:s23+$0x16600] =	vst v1  }
0x10f: {  	[tilespmem:s23+$0x16E80] =	vst v0  }
0x110: {  	s26 =	sshrl.u32 s26, $0x3;
	[tilespmem:s23+$0x17E80] =	vst v9  }
0x111: {  	s29 =	sand.u32 $0x70, s24;
	s28 =	sshll.u32 s26, $0x7;
	s26 =	sshll.u32 s26, $0x9;
	[tilespmem:s23+$0x16E00] =	vst v23  }
0x112: {  	s30 =	sadd.s32 s28, s21;
	s31 =	sadd.s32 s26, s20;
	s28 =	sor.u32 s29, s28;
	[tilespmem:s23+$0x14500] =	vst v16  }
0x113: {  	s30 =	sadd.s32 s29, s30;
	s31 =	sadd.s32 s29, s31;
	[tilespmem:s23+$0x14680] =	vst v10  }
0x114: {  	v6 =	vld [tilespmem:s30+$0x0];
	_ =	sdelay $0x4  }
0x115: {  	v9 =	vadd.s32 $0x1, v6;
	v1 =	vadd.s32 $0x3, v6;
	v2 =	vadd.s32 $0x4, v6  }
0x116: {  	v11 =	vadd.s32 $0x2, v6  }
0x117: {  	v0 =	vld [tilespmem:s31+$0x180]  }
0x118: {  	v4 =	vld [tilespmem:s28+$0xCB00]  }
0x119: {  	v10 =	vld [tilespmem:s28+$0xC700]  }
0x11a: {  	v5 =	vld.idx.msk [tilespmem:v1+s13+$0x0], $0xffff  }
0x11b: {  	v7 =	vld.idx.msk [tilespmem:v2+s13+$0x0], $0xffff  }
0x11c: {  	v1 =	vld [tilespmem:s31+$0x100]  }
0x11d: {  	v3 =	vld [tilespmem:s31+$0x80]  }
0x11e: {  	v2 =	vld [tilespmem:s31+$0x0];
	_ =	sdelay $0x1  }
.Ltmp3:
0x11f: {  	v16 =	vmul.f32 v10, v5;
	v12 =	vmul.f32 v4, v5;
	v8 =	vld [tilespmem:s28+$0xC900];
	(pc) =	sbr.rel @p0 .LBB2_9-.Ltmp3, $4  }
0x120: {  	v10 =	vmul.f32 v10, v7;
	v14 =	vmul.f32 v4, v7;
	v6 =	vld.idx.msk [tilespmem:v6+s13+$0x0], $0xffff  }
0x121: {  	s23 =	sor.u32 s29, s26;
	v17 =	vmul.f32 v16, v1;
	v13 =	vld.idx.msk [tilespmem:v9+s13+$0x0], $0xffff;
	v19 =	vmul.f32 v16, v3  }
0x122: {  	s28 =	sadd.s32 $0x13500, s23;
	v18 =	vmul.f32 v16, v0;
	v9 =	vld.idx.msk [tilespmem:v11+s13+$0x0], $0xffff;
	v15 =	vmul.f32 v16, v2  }
0x123: {  	v16 =	vmul.f32 v10, v2;
	v11 =	vmul.f32 v10, v3;
	[tilespmem:s28+$0x80] =	vst v19  }
0x124: {  	[tilespmem:s28+$0x100] =	vst v17  }
0x125: {  	[tilespmem:s28+$0x180] =	vst v18  }
0x126: {  	[tilespmem:s23+$0x13500] =	vst v15  }
0x127: {  	v60 =	vmul.f32 v14, v0;
	[tilespmem:s23+$0x13D00] =	vst v16  }
0x128: {  	v61 =	vmul.f32 v14, v1;
	[tilespmem:s23+$0x13D80] =	vst v11  }
0x129: {  	v62 =	vmul.f32 v14, v3;
	[tilespmem:s23+$0x18E80] =	vst v60  }
0x12a: {  	v63 =	vmul.f32 v14, v2;
	[tilespmem:s23+$0x18E00] =	vst v61  }
0x12b: {  	v20 =	vmul.f32 v12, v0;
	[tilespmem:s23+$0x18D80] =	vst v62  }
0x12c: {  	v21 =	vmul.f32 v12, v1;
	[tilespmem:s23+$0x18D00] =	vst v63  }
0x12d: {  	v22 =	vmul.f32 v12, v3;
	[tilespmem:s23+$0x18680] =	vst v20  }
0x12e: {  	v23 =	vmul.f32 v12, v2;
	[tilespmem:s23+$0x18600] =	vst v21  }
0x12f: {  	v25 =	vmul.f32 v10, v0;
	v7 =	vmul.f32 v8, v7;
	[tilespmem:s23+$0x18580] =	vst v22  }
0x130: {  	v27 =	vmul.f32 v10, v1;
	[tilespmem:s23+$0x18500] =	vst v23  }
0x131: {  	v5 =	vmul.f32 v8, v5;
	[tilespmem:s23+$0x13E80] =	vst v25;
	v38 =	vmul.f32 v7, v0  }
0x132: {  	[tilespmem:s23+$0x13E00] =	vst v27;
	v41 =	vmul.f32 v7, v3  }
0x133: {  	v42 =	vmul.f32 v5, v0;
	[tilespmem:s23+$0x16680] =	vst v38  }
0x134: {  	v47 =	vmul.f32 v5, v2;
	[tilespmem:s23+$0x16580] =	vst v41  }
0x135: {  	v50 =	vmul.f32 v5, v1;
	[tilespmem:s23+$0x15E80] =	vst v42  }
0x136: {  	v53 =	vmul.f32 v7, v2;
	[tilespmem:s23+$0x15D00] =	vst v47  }
0x137: {  	v37 =	vmul.f32 v8, v6;
	v57 =	vmul.f32 v5, v3;
	[tilespmem:s23+$0x15E00] =	vst v50  }
0x138: {  	v58 =	vmul.f32 v7, v1;
	[tilespmem:s23+$0x16500] =	vst v53  }
0x139: {  	v52 =	vmul.f32 v4, v6;
	v39 =	vmul.f32 v37, v1;
	[tilespmem:s23+$0x15D80] =	vst v57  }
0x13a: {  	v44 =	vmul.f32 v37, v3;
	[tilespmem:s23+$0x16600] =	vst v58  }
0x13b: {  	v54 =	vmul.f32 v52, v3;
	[tilespmem:s23+$0x14600] =	vst v39  }
0x13c: {  	v55 =	vmul.f32 v52, v2;
	[tilespmem:s23+$0x14580] =	vst v44  }
0x13d: {  	v59 =	vmul.f32 v52, v0;
	[tilespmem:s23+$0x16D80] =	vst v54  }
0x13e: {  	v61 =	vmul.f32 v52, v1;
	[tilespmem:s23+$0x16D00] =	vst v55  }
0x13f: {  	v24 =	vmul.f32 v4, v13;
	v62 =	vmul.f32 v37, v2;
	[tilespmem:s23+$0x16E80] =	vst v59  }
0x140: {  	v63 =	vmul.f32 v37, v0;
	[tilespmem:s23+$0x16E00] =	vst v61  }
0x141: {  	v26 =	vmul.f32 v24, v0;
	[tilespmem:s23+$0x14500] =	vst v62  }
0x142: {  	v28 =	vmul.f32 v8, v13;
	v29 =	vmul.f32 v24, v3;
	[tilespmem:s23+$0x14680] =	vst v63  }
0x143: {  	v31 =	vmul.f32 v24, v1;
	[tilespmem:s23+$0x17680] =	vst v26  }
0x144: {  	v32 =	vmul.f32 v28, v3;
	[tilespmem:s23+$0x17580] =	vst v29  }
0x145: {  	v34 =	vmul.f32 v28, v2;
	[tilespmem:s23+$0x17600] =	vst v31  }
0x146: {  	v35 =	vmul.f32 v28, v1;
	[tilespmem:s23+$0x14D80] =	vst v32  }
0x147: {  	v30 =	vmul.f32 v8, v9;
	v45 =	vmul.f32 v28, v0;
	[tilespmem:s23+$0x14D00] =	vst v34  }
0x148: {  	v48 =	vmul.f32 v24, v2;
	[tilespmem:s23+$0x14E00] =	vst v35  }
0x149: {  	v33 =	vmul.f32 v30, v3;
	[tilespmem:s23+$0x14E80] =	vst v45  }
0x14a: {  	v43 =	vmul.f32 v4, v9;
	v36 =	vmul.f32 v30, v2;
	[tilespmem:s23+$0x17500] =	vst v48  }
0x14b: {  	v40 =	vmul.f32 v30, v1;
	[tilespmem:s23+$0x15580] =	vst v33  }
0x14c: {  	v46 =	vmul.f32 v43, v2;
	[tilespmem:s23+$0x15500] =	vst v36  }
0x14d: {  	s19 =	sadd.s32 $0x1, s19;
	v49 =	vmul.f32 v43, v3;
	[tilespmem:s23+$0x15600] =	vst v40  }
0x14e: {  	p0 =	sne.s32 s19, $0x10;
	v51 =	vmul.f32 v43, v1;
	[tilespmem:s23+$0x17D00] =	vst v46  }
.Ltmp4:
0x14f: {  	v56 =	vmul.f32 v30, v0;
	[tilespmem:s23+$0x17D80] =	vst v49;
	(pc) =	sbr.rel @p0 .LBB2_6-.Ltmp4, $4  }
0x150: {  	v60 =	vmul.f32 v43, v0;
	[tilespmem:s23+$0x17E00] =	vst v51  }
0x151: {  	[tilespmem:s23+$0x15680] =	vst v56  }
0x152: {  	s20 =	sadd.s32 $0xD00, s22;
	[tilespmem:s23+$0x17E80] =	vst v60  }
0x153: {  	[hbm4b:s20+s3] =	stream.linear.scatter [tilespmem:s16], [sflag:$0x2], $0x6000, $0x38;
	[tilespmem:$0x19500] =	vst v63  }
0x154: {  	s18 =	sadd.s32 $0x1, s18  }
0x155: {  	_ =	swait.ge [sflag:s14], $0x6800;
	p0 =	sne.s32 s18, s9  }
.Ltmp5:
0x156: {  	[sflag:s14] =	ssyncset.done $0x0;
	(pc) =	sbr.rel @p0 .LBB2_1-.Ltmp5, $4  }
0x157: {  	[sflag:s14] =	ssyncadd.s32 $0xFFFF9800  }
0x158: {  	_ =	swait.ge [sflag:s17], $0x6000  }
0x159: {  	[sflag:s17] =	ssyncset.done $0x0  }
0x15a: {  	[sflag:s17] =	ssyncadd.s32 $0xFFFFA000  }
0x15b: {  	_ =	sfence.sel $0x180000  }
0x15c: {  	[bflag:$0x0] =	sbarrier.arrive $0xFFFF  }
0x15d: {  	p0 =	sne.s32 s2, $0x0;
	_ =	strace $0x90000047  }
0x15e: {  	s0 =	sadd.s32 @!p0 $0x100000, s0;
	[bflag:$0x2] =	sbarrier.arrive $0xFFFF  }
0x15f: {  	[sflag:s0] =	ssyncadd.tile.s32 @!p0 $0x1;
	_ =	shalt  }
.Lfunc_end2:
_tile_overlayer_lowered:
.L_overlay_start_2:
0x160: {  	(tag) =	ssettag $0x2  }
0x161: {  	s0 =	rddreg [dreg:$0x0];
	s2 =	stileid.u32  }
0x162: {  	s1 =	rddreg [dreg:$0x1];
	p0 =	sne.s32 s2, $0x0  }
0x163: {  	s3 =	rddreg [dreg:$0x2];
	[bflag:$0x3] =	sbarrier.arrive $0xFFFF;
	s2 =	simm.s32 @!p0 $0x1C03  }
0x164: {  	[timem:s3], [sflag:s2] =	dma.local @!p0 [hbm:s0], s1  }
0x165: {  	s0 =	simm.s32 @!p0 $0x3  }
0x166: {  	_ =	swait.ge @!p0 [sflag:s0], s1  }
0x167: {  	s1 =	ssub.s32 @!p0 $0x0, s1;
	[sflag:s0] =	ssyncset.done @!p0 $0x0  }
0x168: {  	[sflag:s0] =	ssyncadd.s32 @!p0 s1  }
0x169: {  	[bflag:$0x3] =	sbarrier.arrive $0xFFFF  }
0x16a: {  	_ =	shalt  }

</sc_bundles>
